<compile_context>
chip_gen: v7x
topology: tpu7x:2x2x1
jax: 0.10.2.dev20260603
libtpu: 0.0.44.dev20260713+nightly
codegen_flags: <defaults>
</compile_context>

<pallas_src>
import jax
import jax.numpy as jnp
from jax import lax
from jax.experimental import pallas as pl
from jax.experimental.pallas import tpu as pltpu
from jax.experimental.pallas import tpu_sc as plsc

NB, NV, NF = 16, 10000, 128
NC, NS = 2, 16
NW = NC * NS
RPW = NB * NV // NW
CHUNK = 128
GROUP = 2 * CHUNK
CHUNKS = []
for g in range(RPW // GROUP):
    CHUNKS.append((g * GROUP, CHUNK, False))
    CHUNKS.append((g * GROUP + CHUNK, CHUNK, True))
CHUNKS.append((RPW - RPW % GROUP, CHUNK, False))
CHUNKS.append((RPW - RPW % GROUP + CHUNK, RPW % GROUP - CHUNK, True))
NCHUNK = len(CHUNKS)
NGRP = NCHUNK // 2
NIDX = 5008
NBUF = 3
DEPTH = 4
HEAD = DEPTH * CHUNK


def _gather_body(y_hbm, rs_hbm, out_hbm, idx_v, bufs, gsems, wsems):
    cid = lax.axis_index("c")
    sid = lax.axis_index("s")
    wid = sid * NC + cid
    b = wid // 2
    h = wid % 2
    ibase = h * RPW
    obase = wid * RPW
    boff = b * NV

    def add_offsets(k0, k1):
        def addk(k, carry):
            sl = pl.ds(pl.multiple_of(k * 16, 16), 16)
            idx_v[sl] = idx_v[sl] + boff
            return carry
        lax.fori_loop(k0, k1, addk, 0)

    def gstart(c):
        start, size, second = CHUNKS[c]
        gi = c // 2
        return pltpu.async_copy(
            y_hbm.at[idx_v.at[pl.ds(start, size)]],
            bufs[gi % NBUF].at[pl.ds(CHUNK if second else 0, size)],
            gsems[gi % NBUF])

    pltpu.sync_copy(rs_hbm.at[pl.ds(ibase, HEAD)], idx_v.at[pl.ds(0, HEAD)])
    add_offsets(0, HEAD // 16)
    handles = {}
    for c in range(DEPTH):
        handles[("g", c)] = gstart(c)

    pltpu.sync_copy(rs_hbm.at[pl.ds(ibase + HEAD, RPW - HEAD)],
                    idx_v.at[pl.ds(HEAD, RPW - HEAD)])
    add_offsets(HEAD // 16, NIDX // 16)

    for c in range(NCHUNK):
        start, size, second = CHUNKS[c]
        gi = c // 2
        handles[("g", c)].wait()
        if second:
            gsize = CHUNK + size
            handles[("w", gi)] = pltpu.async_copy(
                bufs[gi % NBUF].at[pl.ds(0, gsize)],
                out_hbm.at[pl.ds(obase + gi * GROUP, gsize)],
                wsems[gi % NBUF])
        n = c + DEPTH
        if n < NCHUNK:
            gn = CHUNKS[n]
            gi_n = n // 2
            if gi_n - NBUF >= 0 and (not gn[2]):
                handles[("w", gi_n - NBUF)].wait()
            handles[("g", n)] = gstart(n)
    for p in range(NGRP - NBUF, NGRP):
        handles[("w", p)].wait()


def kernel(y, rs):
    y_flat = y.reshape(NB * NV, NF)
    rs = rs.astype(jnp.int32)
    mesh = plsc.VectorSubcoreMesh(core_axis_name="c", subcore_axis_name="s")
    out_flat = pl.kernel(
        _gather_body,
        mesh=mesh,
        out_type=jax.ShapeDtypeStruct((NB * NV, NF), jnp.float32),
        scratch_types=[
            pltpu.VMEM((NIDX,), jnp.int32),
            [pltpu.VMEM((GROUP, NF), jnp.float32) for _ in range(NBUF)],
            [pltpu.SemaphoreType.DMA for _ in range(NBUF)],
            [pltpu.SemaphoreType.DMA for _ in range(NBUF)],
        ],
    )(y_flat, rs)
    return out_flat.reshape(NB, NV, NF)

# --- scband reference (transcript-rebuilt; emitter-appended) ---
"""Pipeline reference for scband-de-shuffle-output-50019189129832 (READ-ONLY COPY).

The authoritative reference and input builder live on the scoring server;
editing this copy changes nothing except your own understanding.
"""

import jax, jax.numpy as jnp
import numpy as np

NBATCH = 16
NV = 10000
NFEAT = 128


def setup_inputs(seed: int = 0) -> dict:
    key = jax.random.key(seed)
    k1, k2 = jax.random.split(key)
    y = jax.random.normal(k1, (NBATCH, NV, NFEAT), dtype=jnp.float32)
    rs = jax.random.randint(k2, (NV,), 0, NV, dtype=jnp.int64 if jax.config.jax_enable_x64 else jnp.int32)
    return {"y": y, "rs": rs}


def reference(y, rs):
    # DeShuffleOutput.call: y = tf.gather(y, rs, axis=1) when shuffle=True
    out = jnp.take(y, rs, axis=1)
    return out

if __name__ == "__main__":
    import jax
    _d = setup_inputs()
    print(jax.jit(kernel)(*tuple(_d.values())))

</pallas_src>

<mosaic_0001>
#map = affine_map<(d0, d1) -> (0, 0)>
#map1 = affine_map<(d0, d1) -> (0)>
module attributes {stable_mosaic.version = 14 : i64} {
  func.func @_gather_body(%arg0: i32, %arg1: i32, %arg2: memref<160000x128xf32, #tpu.memory_space<hbm>>, %arg3: memref<10000xi32, #tpu.memory_space<hbm>>, %arg4: memref<160000x128xf32, #tpu.memory_space<hbm>>, %arg5: memref<5008xi32, #tpu.memory_space<vmem>>, %arg6: memref<256x128xf32, #tpu.memory_space<vmem>>, %arg7: memref<256x128xf32, #tpu.memory_space<vmem>>, %arg8: memref<256x128xf32, #tpu.memory_space<vmem>>, %arg9: memref<!tpu.dma_semaphore, #tpu.memory_space<semaphore_mem>>, %arg10: memref<!tpu.dma_semaphore, #tpu.memory_space<semaphore_mem>>, %arg11: memref<!tpu.dma_semaphore, #tpu.memory_space<semaphore_mem>>, %arg12: memref<!tpu.dma_semaphore, #tpu.memory_space<semaphore_mem>>, %arg13: memref<!tpu.dma_semaphore, #tpu.memory_space<semaphore_mem>>, %arg14: memref<!tpu.dma_semaphore, #tpu.memory_space<semaphore_mem>>) attributes {dimension_semantics = [#tpu.dimension_semantics<core_parallel>, #tpu.dimension_semantics<subcore_parallel>], iteration_bounds = array<i64: 2, 16>, scalar_prefetch = 0 : i64, scratch_operands = 10 : i64, tpu.core_type = #tpu.core_type<sc_vector_subcore>, window_params = [{transform_indices = #map}, {transform_indices = #map1}, {transform_indices = #map}]} {
    %mul3A = arith.constant 2 : i32
    %mul3A_0 = arith.muli %arg1, %mul3A : i32
    %add3A = arith.addi %mul3A_0, %arg0 : i32
    %jit3A = arith.constant 2 : i32
    %div3A = arith.divsi %add3A, %jit3A : i32
    %sign3A = arith.constant 0 : i32
    %sign3A_1 = arith.cmpi sgt, %add3A, %sign3A : i32
    %sign3A_2 = arith.extui %sign3A_1 : i1 to i32
    %sign3A_3 = arith.constant 0 : i32
    %sign3A_4 = arith.cmpi slt, %add3A, %sign3A_3 : i32
    %sign3A_5 = arith.extui %sign3A_4 : i1 to i32
    %sign3A_6 = arith.subi %sign3A_2, %sign3A_5 : i32
    %sign3A_7 = arith.constant 0 : i32
    %sign3A_8 = arith.cmpi sgt, %jit3A, %sign3A_7 : i32
    %sign3A_9 = arith.extui %sign3A_8 : i1 to i32
    %sign3A_10 = arith.constant 0 : i32
    %sign3A_11 = arith.cmpi slt, %jit3A, %sign3A_10 : i32
    %sign3A_12 = arith.extui %sign3A_11 : i1 to i32
    %sign3A_13 = arith.subi %sign3A_9, %sign3A_12 : i32
    %ne3A = arith.cmpi ne, %sign3A_6, %sign3A_13 : i32
    %rem3A = arith.remsi %add3A, %jit3A : i32
    %ne3A_14 = arith.constant 0 : i32
    %ne3A_15 = arith.cmpi ne, %rem3A, %ne3A_14 : i32
    %and3A = arith.andi %ne3A, %ne3A_15 : i1
    %sub3A = arith.constant 1 : i32
    %sub3A_16 = arith.subi %div3A, %sub3A : i32
    %select_n3A = arith.select %and3A, %sub3A_16, %div3A : i32
    %jit3A_17 = arith.constant 2 : i32
    %eq3A = arith.constant 0 : i32
    %eq3A_18 = arith.cmpi eq, %jit3A_17, %eq3A : i32
    %jit3A_19 = arith.constant 1 : i32
    %select_n3A_20 = arith.select %eq3A_18, %jit3A_19, %jit3A_17 : i32
    %rem3A_21 = arith.remsi %add3A, %select_n3A_20 : i32
    %ne3A_22 = arith.constant 0 : i32
    %ne3A_23 = arith.cmpi ne, %rem3A_21, %ne3A_22 : i32
    %lt3A = arith.constant 0 : i32
    %lt3A_24 = arith.cmpi slt, %rem3A_21, %lt3A : i32
    %lt3A_25 = arith.constant 0 : i32
    %lt3A_26 = arith.cmpi slt, %select_n3A_20, %lt3A_25 : i32
    %ne3A_27 = arith.xori %lt3A_24, %lt3A_26 : i1
    %and3A_28 = arith.andi %ne3A_27, %ne3A_23 : i1
    %add3A_29 = arith.addi %rem3A_21, %select_n3A_20 : i32
    %select_n3A_30 = arith.select %and3A_28, %add3A_29, %rem3A_21 : i32
    %mul3A_31 = arith.constant 5000 : i32
    %mul3A_32 = arith.muli %select_n3A_30, %mul3A_31 : i32
    %mul3A_33 = arith.constant 5000 : i32
    %mul3A_34 = arith.muli %add3A, %mul3A_33 : i32
    %mul3A_35 = arith.constant 10000 : i32
    %mul3A_36 = arith.muli %select_n3A, %mul3A_35 : i32
    "tpu.region"() ({
      %run_scoped3A = tpu.sem_alloc : memref<!tpu.dma_semaphore, #tpu.memory_space<semaphore_mem>>
      %dma_start3A_1128 = arith.constant 0 : i32
      %dma_start3A_1129 = tpu.memref_slice %arg5[%dma_start3A_1128] : memref<5008xi32, #tpu.memory_space<vmem>> -> memref<512xi32, #tpu.memory_space<vmem>>
      %dma_start3A_1130 = tpu.memref_slice %arg3[%mul3A_32] : memref<10000xi32, #tpu.memory_space<hbm>> -> memref<512xi32, #tpu.memory_space<hbm>>
      %dma_start3A_1131 = arith.constant 0 : i32
      %dma_start3A_1132 = tpu.memref_slice %arg5[%dma_start3A_1131] : memref<5008xi32, #tpu.memory_space<vmem>> -> memref<512xi32, #tpu.memory_space<vmem>>
      %dma_start3A_1133 = tpu.memref_slice %arg3[%mul3A_32] : memref<10000xi32, #tpu.memory_space<hbm>> -> memref<512xi32, #tpu.memory_space<hbm>>
      tpu.enqueue_dma source(%dma_start3A_1133 : memref<512xi32, #tpu.memory_space<hbm>>) target(%dma_start3A_1132 : memref<512xi32, #tpu.memory_space<vmem>>) target_semaphore(%run_scoped3A : memref<!tpu.dma_semaphore, #tpu.memory_space<semaphore_mem>>)
      %dma_wait3A_1134 = arith.constant 0 : i32
      %dma_wait3A_1135 = tpu.memref_slice %arg5[%dma_wait3A_1134] : memref<5008xi32, #tpu.memory_space<vmem>> -> memref<512xi32, #tpu.memory_space<vmem>>
      %dma_wait3A_1136 = tpu.memref_slice %arg3[%mul3A_32] : memref<10000xi32, #tpu.memory_space<hbm>> -> memref<512xi32, #tpu.memory_space<hbm>>
      %dma_wait3A_1137 = arith.constant 0 : i32
      %dma_wait3A_1138 = tpu.memref_slice %arg5[%dma_wait3A_1137] : memref<5008xi32, #tpu.memory_space<vmem>> -> memref<512xi32, #tpu.memory_space<vmem>>
      %dma_wait3A_1139 = tpu.memref_slice %arg3[%mul3A_32] : memref<10000xi32, #tpu.memory_space<hbm>> -> memref<512xi32, #tpu.memory_space<hbm>>
      tpu.wait_dma2 semaphore(%run_scoped3A : memref<!tpu.dma_semaphore, #tpu.memory_space<semaphore_mem>>) src(%dma_wait3A_1139 : memref<512xi32, #tpu.memory_space<hbm>>) dst(%dma_wait3A_1138 : memref<512xi32, #tpu.memory_space<vmem>>)
      tpu.yield
    }) : () -> ()
    %scan3A = arith.constant 0 : i32
    %scan3A_37 = arith.constant 0 : i32
    %scan3A_38 = arith.constant 32 : i32
    %scan3A_39 = arith.addi %scan3A_37, %scan3A_38 : i32
    %scan3A_40 = arith.constant 1 : i32
    scf.for %scan3A_1128 = %scan3A_37 to %scan3A_39 step %scan3A_40  : i32 {
      %mul3A_1129 = arith.constant 16 : i32
      %mul3A_1130 = arith.muli %scan3A_1128, %mul3A_1129 : i32
      %multiple_of3A = tpu.assume_multiple %mul3A_1130, 16 : i32
      %get3A = arith.index_cast %multiple_of3A : i32 to index
      %get3A_1131 = tpu.vector_load %arg5[%get3A] {strides = array<i32>} : memref<5008xi32, #tpu.memory_space<vmem>>, vector<16xi32>,
      %get3A_1132 = vector.shape_cast %get3A_1131 : vector<16xi32> to vector<16xi32>
      %add3A_1133 = vector.broadcast %mul3A_36 : i32 to vector<16xi32>
      %add3A_1134 = arith.addi %get3A_1132, %add3A_1133 : vector<16xi32>
      %swap3A = arith.index_cast %multiple_of3A : i32 to index
      %swap3A_1135 = tpu.vector_load %arg5[%swap3A] {strides = array<i32>} : memref<5008xi32, #tpu.memory_space<vmem>>, vector<16xi32>,
      %swap3A_1136 = vector.shape_cast %swap3A_1135 : vector<16xi32> to vector<16xi32>
      %swap3A_1137 = vector.shape_cast %add3A_1134 : vector<16xi32> to vector<16xi32>
      tpu.vector_store %arg5[%swap3A], %swap3A_1137 {strides = array<i32>} : memref<5008xi32, #tpu.memory_space<vmem>>, vector<16xi32>,
    }
    %scan3A_41 = arith.constant 32 : i32
    %dma_start3A = arith.constant 0 : i32
    %dma_start3A_42 = arith.constant 0 : i32
    %dma_start3A_43 = tpu.memref_slice %arg6[%dma_start3A, %dma_start3A_42] : memref<256x128xf32, #tpu.memory_space<vmem>> -> memref<128x128xf32, #tpu.memory_space<vmem>>
    %dma_start3A_44 = arith.constant 0 : i32
    %dma_start3A_45 = tpu.memref_slice %arg5[%dma_start3A_44] : memref<5008xi32, #tpu.memory_space<vmem>> -> memref<128xi32, #tpu.memory_space<vmem>>
    %dma_start3A_46 = arith.constant 0 : i32
    %dma_start3A_47 = arith.constant 0 : i32
    %dma_start3A_48 = tpu.memref_slice %arg2[%dma_start3A_46, %dma_start3A_47] : memref<160000x128xf32, #tpu.memory_space<hbm>> -> memref<160000x128xf32, #tpu.memory_space<hbm>>
    tpu.enqueue_indirect_dma source(%dma_start3A_48 : memref<160000x128xf32, #tpu.memory_space<hbm>>) target(%dma_start3A_43 : memref<128x128xf32, #tpu.memory_space<vmem>>) offsets(%dma_start3A_45 : memref<128xi32, #tpu.memory_space<vmem>>) semaphore(%arg9 : memref<!tpu.dma_semaphore, #tpu.memory_space<semaphore_mem>>)
    %dma_start3A_49 = arith.constant 128 : i32
    %dma_start3A_50 = arith.constant 0 : i32
    %dma_start3A_51 = tpu.memref_slice %arg6[%dma_start3A_49, %dma_start3A_50] : memref<256x128xf32, #tpu.memory_space<vmem>> -> memref<128x128xf32, #tpu.memory_space<vmem>>
    %dma_start3A_52 = arith.constant 128 : i32
    %dma_start3A_53 = tpu.memref_slice %arg5[%dma_start3A_52] : memref<5008xi32, #tpu.memory_space<vmem>> -> memref<128xi32, #tpu.memory_space<vmem>>
    %dma_start3A_54 = arith.constant 0 : i32
    %dma_start3A_55 = arith.constant 0 : i32
    %dma_start3A_56 = tpu.memref_slice %arg2[%dma_start3A_54, %dma_start3A_55] : memref<160000x128xf32, #tpu.memory_space<hbm>> -> memref<160000x128xf32, #tpu.memory_space<hbm>>
    tpu.enqueue_indirect_dma source(%dma_start3A_56 : memref<160000x128xf32, #tpu.memory_space<hbm>>) target(%dma_start3A_51 : memref<128x128xf32, #tpu.memory_space<vmem>>) offsets(%dma_start3A_53 : memref<128xi32, #tpu.memory_space<vmem>>) semaphore(%arg9 : memref<!tpu.dma_semaphore, #tpu.memory_space<semaphore_mem>>)
    %dma_start3A_57 = arith.constant 0 : i32
    %dma_start3A_58 = arith.constant 0 : i32
    %dma_start3A_59 = tpu.memref_slice %arg7[%dma_start3A_57, %dma_start3A_58] : memref<256x128xf32, #tpu.memory_space<vmem>> -> memref<128x128xf32, #tpu.memory_space<vmem>>
    %dma_start3A_60 = arith.constant 256 : i32
    %dma_start3A_61 = tpu.memref_slice %arg5[%dma_start3A_60] : memref<5008xi32, #tpu.memory_space<vmem>> -> memref<128xi32, #tpu.memory_space<vmem>>
    %dma_start3A_62 = arith.constant 0 : i32
    %dma_start3A_63 = arith.constant 0 : i32
    %dma_start3A_64 = tpu.memref_slice %arg2[%dma_start3A_62, %dma_start3A_63] : memref<160000x128xf32, #tpu.memory_space<hbm>> -> memref<160000x128xf32, #tpu.memory_space<hbm>>
    tpu.enqueue_indirect_dma source(%dma_start3A_64 : memref<160000x128xf32, #tpu.memory_space<hbm>>) target(%dma_start3A_59 : memref<128x128xf32, #tpu.memory_space<vmem>>) offsets(%dma_start3A_61 : memref<128xi32, #tpu.memory_space<vmem>>) semaphore(%arg10 : memref<!tpu.dma_semaphore, #tpu.memory_space<semaphore_mem>>)
    %dma_start3A_65 = arith.constant 128 : i32
    %dma_start3A_66 = arith.constant 0 : i32
    %dma_start3A_67 = tpu.memref_slice %arg7[%dma_start3A_65, %dma_start3A_66] : memref<256x128xf32, #tpu.memory_space<vmem>> -> memref<128x128xf32, #tpu.memory_space<vmem>>
    %dma_start3A_68 = arith.constant 384 : i32
    %dma_start3A_69 = tpu.memref_slice %arg5[%dma_start3A_68] : memref<5008xi32, #tpu.memory_space<vmem>> -> memref<128xi32, #tpu.memory_space<vmem>>
    %dma_start3A_70 = arith.constant 0 : i32
    %dma_start3A_71 = arith.constant 0 : i32
    %dma_start3A_72 = tpu.memref_slice %arg2[%dma_start3A_70, %dma_start3A_71] : memref<160000x128xf32, #tpu.memory_space<hbm>> -> memref<160000x128xf32, #tpu.memory_space<hbm>>
    tpu.enqueue_indirect_dma source(%dma_start3A_72 : memref<160000x128xf32, #tpu.memory_space<hbm>>) target(%dma_start3A_67 : memref<128x128xf32, #tpu.memory_space<vmem>>) offsets(%dma_start3A_69 : memref<128xi32, #tpu.memory_space<vmem>>) semaphore(%arg10 : memref<!tpu.dma_semaphore, #tpu.memory_space<semaphore_mem>>)
    %add3A_73 = arith.constant 512 : i32
    %add3A_74 = arith.addi %mul3A_32, %add3A_73 : i32
    "tpu.region"() ({
      %run_scoped3A = tpu.sem_alloc : memref<!tpu.dma_semaphore, #tpu.memory_space<semaphore_mem>>
      %dma_start3A_1128 = arith.constant 512 : i32
      %dma_start3A_1129 = tpu.memref_slice %arg5[%dma_start3A_1128] : memref<5008xi32, #tpu.memory_space<vmem>> -> memref<4488xi32, #tpu.memory_space<vmem>>
      %dma_start3A_1130 = tpu.memref_slice %arg3[%add3A_74] : memref<10000xi32, #tpu.memory_space<hbm>> -> memref<4488xi32, #tpu.memory_space<hbm>>
      %dma_start3A_1131 = arith.constant 512 : i32
      %dma_start3A_1132 = tpu.memref_slice %arg5[%dma_start3A_1131] : memref<5008xi32, #tpu.memory_space<vmem>> -> memref<4488xi32, #tpu.memory_space<vmem>>
      %dma_start3A_1133 = tpu.memref_slice %arg3[%add3A_74] : memref<10000xi32, #tpu.memory_space<hbm>> -> memref<4488xi32, #tpu.memory_space<hbm>>
      tpu.enqueue_dma source(%dma_start3A_1133 : memref<4488xi32, #tpu.memory_space<hbm>>) target(%dma_start3A_1132 : memref<4488xi32, #tpu.memory_space<vmem>>) target_semaphore(%run_scoped3A : memref<!tpu.dma_semaphore, #tpu.memory_space<semaphore_mem>>)
      %dma_wait3A_1134 = arith.constant 512 : i32
      %dma_wait3A_1135 = tpu.memref_slice %arg5[%dma_wait3A_1134] : memref<5008xi32, #tpu.memory_space<vmem>> -> memref<4488xi32, #tpu.memory_space<vmem>>
      %dma_wait3A_1136 = tpu.memref_slice %arg3[%add3A_74] : memref<10000xi32, #tpu.memory_space<hbm>> -> memref<4488xi32, #tpu.memory_space<hbm>>
      %dma_wait3A_1137 = arith.constant 512 : i32
      %dma_wait3A_1138 = tpu.memref_slice %arg5[%dma_wait3A_1137] : memref<5008xi32, #tpu.memory_space<vmem>> -> memref<4488xi32, #tpu.memory_space<vmem>>
      %dma_wait3A_1139 = tpu.memref_slice %arg3[%add3A_74] : memref<10000xi32, #tpu.memory_space<hbm>> -> memref<4488xi32, #tpu.memory_space<hbm>>
      tpu.wait_dma2 semaphore(%run_scoped3A : memref<!tpu.dma_semaphore, #tpu.memory_space<semaphore_mem>>) src(%dma_wait3A_1139 : memref<4488xi32, #tpu.memory_space<hbm>>) dst(%dma_wait3A_1138 : memref<4488xi32, #tpu.memory_space<vmem>>)
      tpu.yield
    }) : () -> ()
    %scan3A_75 = arith.constant 0 : i32
    %scan3A_76 = arith.constant 32 : i32
    %scan3A_77 = arith.constant 281 : i32
    %scan3A_78 = arith.addi %scan3A_76, %scan3A_77 : i32
    %scan3A_79 = arith.constant 1 : i32
    scf.for %scan3A_1128 = %scan3A_76 to %scan3A_78 step %scan3A_79  : i32 {
      %mul3A_1129 = arith.constant 16 : i32
      %mul3A_1130 = arith.muli %scan3A_1128, %mul3A_1129 : i32
      %multiple_of3A = tpu.assume_multiple %mul3A_1130, 16 : i32
      %get3A = arith.index_cast %multiple_of3A : i32 to index
      %get3A_1131 = tpu.vector_load %arg5[%get3A] {strides = array<i32>} : memref<5008xi32, #tpu.memory_space<vmem>>, vector<16xi32>,
      %get3A_1132 = vector.shape_cast %get3A_1131 : vector<16xi32> to vector<16xi32>
      %add3A_1133 = vector.broadcast %mul3A_36 : i32 to vector<16xi32>
      %add3A_1134 = arith.addi %get3A_1132, %add3A_1133 : vector<16xi32>
      %swap3A = arith.index_cast %multiple_of3A : i32 to index
      %swap3A_1135 = tpu.vector_load %arg5[%swap3A] {strides = array<i32>} : memref<5008xi32, #tpu.memory_space<vmem>>, vector<16xi32>,
      %swap3A_1136 = vector.shape_cast %swap3A_1135 : vector<16xi32> to vector<16xi32>
      %swap3A_1137 = vector.shape_cast %add3A_1134 : vector<16xi32> to vector<16xi32>
      tpu.vector_store %arg5[%swap3A], %swap3A_1137 {strides = array<i32>} : memref<5008xi32, #tpu.memory_space<vmem>>, vector<16xi32>,
    }
    %scan3A_80 = arith.constant 281 : i32
    %dma_wait3A = arith.constant 0 : i32
    %dma_wait3A_81 = arith.constant 0 : i32
    %dma_wait3A_82 = tpu.memref_slice %arg6[%dma_wait3A, %dma_wait3A_81] : memref<256x128xf32, #tpu.memory_space<vmem>> -> memref<128x128xf32, #tpu.memory_space<vmem>>
    %dma_wait3A_83 = arith.constant 0 : i32
    %dma_wait3A_84 = tpu.memref_slice %arg5[%dma_wait3A_83] : memref<5008xi32, #tpu.memory_space<vmem>> -> memref<128xi32, #tpu.memory_space<vmem>>
    %dma_wait3A_85 = arith.constant 0 : i32
    %dma_wait3A_86 = arith.constant 0 : i32
    %dma_wait3A_87 = tpu.memref_slice %arg2[%dma_wait3A_85, %dma_wait3A_86] : memref<160000x128xf32, #tpu.memory_space<hbm>> -> memref<160000x128xf32, #tpu.memory_space<hbm>>
    tpu.wait_indirect_dma semaphore(%arg9 : memref<!tpu.dma_semaphore, #tpu.memory_space<semaphore_mem>>) src(%dma_wait3A_87 : memref<160000x128xf32, #tpu.memory_space<hbm>>) dst(%dma_wait3A_82 : memref<128x128xf32, #tpu.memory_space<vmem>>)
    %dma_start3A_88 = arith.constant 0 : i32
    %dma_start3A_89 = arith.constant 0 : i32
    %dma_start3A_90 = tpu.memref_slice %arg8[%dma_start3A_88, %dma_start3A_89] : memref<256x128xf32, #tpu.memory_space<vmem>> -> memref<128x128xf32, #tpu.memory_space<vmem>>
    %dma_start3A_91 = arith.constant 512 : i32
    %dma_start3A_92 = tpu.memref_slice %arg5[%dma_start3A_91] : memref<5008xi32, #tpu.memory_space<vmem>> -> memref<128xi32, #tpu.memory_space<vmem>>
    %dma_start3A_93 = arith.constant 0 : i32
    %dma_start3A_94 = arith.constant 0 : i32
    %dma_start3A_95 = tpu.memref_slice %arg2[%dma_start3A_93, %dma_start3A_94] : memref<160000x128xf32, #tpu.memory_space<hbm>> -> memref<160000x128xf32, #tpu.memory_space<hbm>>
    tpu.enqueue_indirect_dma source(%dma_start3A_95 : memref<160000x128xf32, #tpu.memory_space<hbm>>) target(%dma_start3A_90 : memref<128x128xf32, #tpu.memory_space<vmem>>) offsets(%dma_start3A_92 : memref<128xi32, #tpu.memory_space<vmem>>) semaphore(%arg11 : memref<!tpu.dma_semaphore, #tpu.memory_space<semaphore_mem>>)
    %dma_wait3A_96 = arith.constant 128 : i32
    %dma_wait3A_97 = arith.constant 0 : i32
    %dma_wait3A_98 = tpu.memref_slice %arg6[%dma_wait3A_96, %dma_wait3A_97] : memref<256x128xf32, #tpu.memory_space<vmem>> -> memref<128x128xf32, #tpu.memory_space<vmem>>
    %dma_wait3A_99 = arith.constant 128 : i32
    %dma_wait3A_100 = tpu.memref_slice %arg5[%dma_wait3A_99] : memref<5008xi32, #tpu.memory_space<vmem>> -> memref<128xi32, #tpu.memory_space<vmem>>
    %dma_wait3A_101 = arith.constant 0 : i32
    %dma_wait3A_102 = arith.constant 0 : i32
    %dma_wait3A_103 = tpu.memref_slice %arg2[%dma_wait3A_101, %dma_wait3A_102] : memref<160000x128xf32, #tpu.memory_space<hbm>> -> memref<160000x128xf32, #tpu.memory_space<hbm>>
    tpu.wait_indirect_dma semaphore(%arg9 : memref<!tpu.dma_semaphore, #tpu.memory_space<semaphore_mem>>) src(%dma_wait3A_103 : memref<160000x128xf32, #tpu.memory_space<hbm>>) dst(%dma_wait3A_98 : memref<128x128xf32, #tpu.memory_space<vmem>>)
    %add3A_104 = arith.constant 0 : i32
    %add3A_105 = arith.addi %mul3A_34, %add3A_104 : i32
    %dma_start3A_106 = arith.constant 0 : i32
    %dma_start3A_107 = arith.constant 0 : i32
    %dma_start3A_108 = tpu.memref_slice %arg6[%dma_start3A_106, %dma_start3A_107] : memref<256x128xf32, #tpu.memory_space<vmem>> -> memref<256x128xf32, #tpu.memory_space<vmem>>
    %dma_start3A_109 = arith.constant 0 : i32
    %dma_start3A_110 = tpu.memref_slice %arg4[%add3A_105, %dma_start3A_109] : memref<160000x128xf32, #tpu.memory_space<hbm>> -> memref<256x128xf32, #tpu.memory_space<hbm>>
    %dma_start3A_111 = arith.constant 0 : i32
    %dma_start3A_112 = tpu.memref_slice %arg4[%add3A_105, %dma_start3A_111] : memref<160000x128xf32, #tpu.memory_space<hbm>> -> memref<256x128xf32, #tpu.memory_space<hbm>>
    %dma_start3A_113 = arith.constant 0 : i32
    %dma_start3A_114 = arith.constant 0 : i32
    %dma_start3A_115 = tpu.memref_slice %arg6[%dma_start3A_113, %dma_start3A_114] : memref<256x128xf32, #tpu.memory_space<vmem>> -> memref<256x128xf32, #tpu.memory_space<vmem>>
    tpu.enqueue_dma source(%dma_start3A_115 : memref<256x128xf32, #tpu.memory_space<vmem>>) target(%dma_start3A_112 : memref<256x128xf32, #tpu.memory_space<hbm>>) target_semaphore(%arg12 : memref<!tpu.dma_semaphore, #tpu.memory_space<semaphore_mem>>)
    %dma_start3A_116 = arith.constant 128 : i32
    %dma_start3A_117 = arith.constant 0 : i32
    %dma_start3A_118 = tpu.memref_slice %arg8[%dma_start3A_116, %dma_start3A_117] : memref<256x128xf32, #tpu.memory_space<vmem>> -> memref<128x128xf32, #tpu.memory_space<vmem>>
    %dma_start3A_119 = arith.constant 640 : i32
    %dma_start3A_120 = tpu.memref_slice %arg5[%dma_start3A_119] : memref<5008xi32, #tpu.memory_space<vmem>> -> memref<128xi32, #tpu.memory_space<vmem>>
    %dma_start3A_121 = arith.constant 0 : i32
    %dma_start3A_122 = arith.constant 0 : i32
    %dma_start3A_123 = tpu.memref_slice %arg2[%dma_start3A_121, %dma_start3A_122] : memref<160000x128xf32, #tpu.memory_space<hbm>> -> memref<160000x128xf32, #tpu.memory_space<hbm>>
    tpu.enqueue_indirect_dma source(%dma_start3A_123 : memref<160000x128xf32, #tpu.memory_space<hbm>>) target(%dma_start3A_118 : memref<128x128xf32, #tpu.memory_space<vmem>>) offsets(%dma_start3A_120 : memref<128xi32, #tpu.memory_space<vmem>>) semaphore(%arg11 : memref<!tpu.dma_semaphore, #tpu.memory_space<semaphore_mem>>)
    %dma_wait3A_124 = arith.constant 0 : i32
    %dma_wait3A_125 = arith.constant 0 : i32
    %dma_wait3A_126 = tpu.memref_slice %arg7[%dma_wait3A_124, %dma_wait3A_125] : memref<256x128xf32, #tpu.memory_space<vmem>> -> memref<128x128xf32, #tpu.memory_space<vmem>>
    %dma_wait3A_127 = arith.constant 256 : i32
    %dma_wait3A_128 = tpu.memref_slice %arg5[%dma_wait3A_127] : memref<5008xi32, #tpu.memory_space<vmem>> -> memref<128xi32, #tpu.memory_space<vmem>>
    %dma_wait3A_129 = arith.constant 0 : i32
    %dma_wait3A_130 = arith.constant 0 : i32
    %dma_wait3A_131 = tpu.memref_slice %arg2[%dma_wait3A_129, %dma_wait3A_130] : memref<160000x128xf32, #tpu.memory_space<hbm>> -> memref<160000x128xf32, #tpu.memory_space<hbm>>
    tpu.wait_indirect_dma semaphore(%arg10 : memref<!tpu.dma_semaphore, #tpu.memory_space<semaphore_mem>>) src(%dma_wait3A_131 : memref<160000x128xf32, #tpu.memory_space<hbm>>) dst(%dma_wait3A_126 : memref<128x128xf32, #tpu.memory_space<vmem>>)
    %dma_wait3A_132 = arith.constant 0 : i32
    %dma_wait3A_133 = arith.constant 0 : i32
    %dma_wait3A_134 = tpu.memref_slice %arg6[%dma_wait3A_132, %dma_wait3A_133] : memref<256x128xf32, #tpu.memory_space<vmem>> -> memref<256x128xf32, #tpu.memory_space<vmem>>
    %dma_wait3A_135 = arith.constant 0 : i32
    %dma_wait3A_136 = tpu.memref_slice %arg4[%add3A_105, %dma_wait3A_135] : memref<160000x128xf32, #tpu.memory_space<hbm>> -> memref<256x128xf32, #tpu.memory_space<hbm>>
    %dma_wait3A_137 = arith.constant 0 : i32
    %dma_wait3A_138 = tpu.memref_slice %arg4[%add3A_105, %dma_wait3A_137] : memref<160000x128xf32, #tpu.memory_space<hbm>> -> memref<256x128xf32, #tpu.memory_space<hbm>>
    %dma_wait3A_139 = arith.constant 0 : i32
    %dma_wait3A_140 = arith.constant 0 : i32
    %dma_wait3A_141 = tpu.memref_slice %arg6[%dma_wait3A_139, %dma_wait3A_140] : memref<256x128xf32, #tpu.memory_space<vmem>> -> memref<256x128xf32, #tpu.memory_space<vmem>>
    tpu.wait_dma2 semaphore(%arg12 : memref<!tpu.dma_semaphore, #tpu.memory_space<semaphore_mem>>) src(%dma_wait3A_141 : memref<256x128xf32, #tpu.memory_space<vmem>>) dst(%dma_wait3A_138 : memref<256x128xf32, #tpu.memory_space<hbm>>)
    %dma_start3A_142 = arith.constant 0 : i32
    %dma_start3A_143 = arith.constant 0 : i32
    %dma_start3A_144 = tpu.memref_slice %arg6[%dma_start3A_142, %dma_start3A_143] : memref<256x128xf32, #tpu.memory_space<vmem>> -> memref<128x128xf32, #tpu.memory_space<vmem>>
    %dma_start3A_145 = arith.constant 768 : i32
    %dma_start3A_146 = tpu.memref_slice %arg5[%dma_start3A_145] : memref<5008xi32, #tpu.memory_space<vmem>> -> memref<128xi32, #tpu.memory_space<vmem>>
    %dma_start3A_147 = arith.constant 0 : i32
    %dma_start3A_148 = arith.constant 0 : i32
    %dma_start3A_149 = tpu.memref_slice %arg2[%dma_start3A_147, %dma_start3A_148] : memref<160000x128xf32, #tpu.memory_space<hbm>> -> memref<160000x128xf32, #tpu.memory_space<hbm>>
    tpu.enqueue_indirect_dma source(%dma_start3A_149 : memref<160000x128xf32, #tpu.memory_space<hbm>>) target(%dma_start3A_144 : memref<128x128xf32, #tpu.memory_space<vmem>>) offsets(%dma_start3A_146 : memref<128xi32, #tpu.memory_space<vmem>>) semaphore(%arg9 : memref<!tpu.dma_semaphore, #tpu.memory_space<semaphore_mem>>)
    %dma_wait3A_150 = arith.constant 128 : i32
    %dma_wait3A_151 = arith.constant 0 : i32
    %dma_wait3A_152 = tpu.memref_slice %arg7[%dma_wait3A_150, %dma_wait3A_151] : memref<256x128xf32, #tpu.memory_space<vmem>> -> memref<128x128xf32, #tpu.memory_space<vmem>>
    %dma_wait3A_153 = arith.constant 384 : i32
    %dma_wait3A_154 = tpu.memref_slice %arg5[%dma_wait3A_153] : memref<5008xi32, #tpu.memory_space<vmem>> -> memref<128xi32, #tpu.memory_space<vmem>>
    %dma_wait3A_155 = arith.constant 0 : i32
    %dma_wait3A_156 = arith.constant 0 : i32
    %dma_wait3A_157 = tpu.memref_slice %arg2[%dma_wait3A_155, %dma_wait3A_156] : memref<160000x128xf32, #tpu.memory_space<hbm>> -> memref<160000x128xf32, #tpu.memory_space<hbm>>
    tpu.wait_indirect_dma semaphore(%arg10 : memref<!tpu.dma_semaphore, #tpu.memory_space<semaphore_mem>>) src(%dma_wait3A_157 : memref<160000x128xf32, #tpu.memory_space<hbm>>) dst(%dma_wait3A_152 : memref<128x128xf32, #tpu.memory_space<vmem>>)
    %add3A_158 = arith.constant 256 : i32
    %add3A_159 = arith.addi %mul3A_34, %add3A_158 : i32
    %dma_start3A_160 = arith.constant 0 : i32
    %dma_start3A_161 = arith.constant 0 : i32
    %dma_start3A_162 = tpu.memref_slice %arg7[%dma_start3A_160, %dma_start3A_161] : memref<256x128xf32, #tpu.memory_space<vmem>> -> memref<256x128xf32, #tpu.memory_space<vmem>>
    %dma_start3A_163 = arith.constant 0 : i32
    %dma_start3A_164 = tpu.memref_slice %arg4[%add3A_159, %dma_start3A_163] : memref<160000x128xf32, #tpu.memory_space<hbm>> -> memref<256x128xf32, #tpu.memory_space<hbm>>
    %dma_start3A_165 = arith.constant 0 : i32
    %dma_start3A_166 = tpu.memref_slice %arg4[%add3A_159, %dma_start3A_165] : memref<160000x128xf32, #tpu.memory_space<hbm>> -> memref<256x128xf32, #tpu.memory_space<hbm>>
    %dma_start3A_167 = arith.constant 0 : i32
    %dma_start3A_168 = arith.constant 0 : i32
    %dma_start3A_169 = tpu.memref_slice %arg7[%dma_start3A_167, %dma_start3A_168] : memref<256x128xf32, #tpu.memory_space<vmem>> -> memref<256x128xf32, #tpu.memory_space<vmem>>
    tpu.enqueue_dma source(%dma_start3A_169 : memref<256x128xf32, #tpu.memory_space<vmem>>) target(%dma_start3A_166 : memref<256x128xf32, #tpu.memory_space<hbm>>) target_semaphore(%arg13 : memref<!tpu.dma_semaphore, #tpu.memory_space<semaphore_mem>>)
    %dma_start3A_170 = arith.constant 128 : i32
    %dma_start3A_171 = arith.constant 0 : i32
    %dma_start3A_172 = tpu.memref_slice %arg6[%dma_start3A_170, %dma_start3A_171] : memref<256x128xf32, #tpu.memory_space<vmem>> -> memref<128x128xf32, #tpu.memory_space<vmem>>
    %dma_start3A_173 = arith.constant 896 : i32
    %dma_start3A_174 = tpu.memref_slice %arg5[%dma_start3A_173] : memref<5008xi32, #tpu.memory_space<vmem>> -> memref<128xi32, #tpu.memory_space<vmem>>
    %dma_start3A_175 = arith.constant 0 : i32
    %dma_start3A_176 = arith.constant 0 : i32
    %dma_start3A_177 = tpu.memref_slice %arg2[%dma_start3A_175, %dma_start3A_176] : memref<160000x128xf32, #tpu.memory_space<hbm>> -> memref<160000x128xf32, #tpu.memory_space<hbm>>
    tpu.enqueue_indirect_dma source(%dma_start3A_177 : memref<160000x128xf32, #tpu.memory_space<hbm>>) target(%dma_start3A_172 : memref<128x128xf32, #tpu.memory_space<vmem>>) offsets(%dma_start3A_174 : memref<128xi32, #tpu.memory_space<vmem>>) semaphore(%arg9 : memref<!tpu.dma_semaphore, #tpu.memory_space<semaphore_mem>>)
    %dma_wait3A_178 = arith.constant 0 : i32
    %dma_wait3A_179 = arith.constant 0 : i32
    %dma_wait3A_180 = tpu.memref_slice %arg8[%dma_wait3A_178, %dma_wait3A_179] : memref<256x128xf32, #tpu.memory_space<vmem>> -> memref<128x128xf32, #tpu.memory_space<vmem>>
    %dma_wait3A_181 = arith.constant 512 : i32
    %dma_wait3A_182 = tpu.memref_slice %arg5[%dma_wait3A_181] : memref<5008xi32, #tpu.memory_space<vmem>> -> memref<128xi32, #tpu.memory_space<vmem>>
    %dma_wait3A_183 = arith.constant 0 : i32
    %dma_wait3A_184 = arith.constant 0 : i32
    %dma_wait3A_185 = tpu.memref_slice %arg2[%dma_wait3A_183, %dma_wait3A_184] : memref<160000x128xf32, #tpu.memory_space<hbm>> -> memref<160000x128xf32, #tpu.memory_space<hbm>>
    tpu.wait_indirect_dma semaphore(%arg11 : memref<!tpu.dma_semaphore, #tpu.memory_space<semaphore_mem>>) src(%dma_wait3A_185 : memref<160000x128xf32, #tpu.memory_space<hbm>>) dst(%dma_wait3A_180 : memref<128x128xf32, #tpu.memory_space<vmem>>)
    %dma_wait3A_186 = arith.constant 0 : i32
    %dma_wait3A_187 = arith.constant 0 : i32
    %dma_wait3A_188 = tpu.memref_slice %arg7[%dma_wait3A_186, %dma_wait3A_187] : memref<256x128xf32, #tpu.memory_space<vmem>> -> memref<256x128xf32, #tpu.memory_space<vmem>>
    %dma_wait3A_189 = arith.constant 0 : i32
    %dma_wait3A_190 = tpu.memref_slice %arg4[%add3A_159, %dma_wait3A_189] : memref<160000x128xf32, #tpu.memory_space<hbm>> -> memref<256x128xf32, #tpu.memory_space<hbm>>
    %dma_wait3A_191 = arith.constant 0 : i32
    %dma_wait3A_192 = tpu.memref_slice %arg4[%add3A_159, %dma_wait3A_191] : memref<160000x128xf32, #tpu.memory_space<hbm>> -> memref<256x128xf32, #tpu.memory_space<hbm>>
    %dma_wait3A_193 = arith.constant 0 : i32
    %dma_wait3A_194 = arith.constant 0 : i32
    %dma_wait3A_195 = tpu.memref_slice %arg7[%dma_wait3A_193, %dma_wait3A_194] : memref<256x128xf32, #tpu.memory_space<vmem>> -> memref<256x128xf32, #tpu.memory_space<vmem>>
    tpu.wait_dma2 semaphore(%arg13 : memref<!tpu.dma_semaphore, #tpu.memory_space<semaphore_mem>>) src(%dma_wait3A_195 : memref<256x128xf32, #tpu.memory_space<vmem>>) dst(%dma_wait3A_192 : memref<256x128xf32, #tpu.memory_space<hbm>>)
    %dma_start3A_196 = arith.constant 0 : i32
    %dma_start3A_197 = arith.constant 0 : i32
    %dma_start3A_198 = tpu.memref_slice %arg7[%dma_start3A_196, %dma_start3A_197] : memref<256x128xf32, #tpu.memory_space<vmem>> -> memref<128x128xf32, #tpu.memory_space<vmem>>
    %dma_start3A_199 = arith.constant 1024 : i32
    %dma_start3A_200 = tpu.memref_slice %arg5[%dma_start3A_199] : memref<5008xi32, #tpu.memory_space<vmem>> -> memref<128xi32, #tpu.memory_space<vmem>>
    %dma_start3A_201 = arith.constant 0 : i32
    %dma_start3A_202 = arith.constant 0 : i32
    %dma_start3A_203 = tpu.memref_slice %arg2[%dma_start3A_201, %dma_start3A_202] : memref<160000x128xf32, #tpu.memory_space<hbm>> -> memref<160000x128xf32, #tpu.memory_space<hbm>>
    tpu.enqueue_indirect_dma source(%dma_start3A_203 : memref<160000x128xf32, #tpu.memory_space<hbm>>) target(%dma_start3A_198 : memref<128x128xf32, #tpu.memory_space<vmem>>) offsets(%dma_start3A_200 : memref<128xi32, #tpu.memory_space<vmem>>) semaphore(%arg10 : memref<!tpu.dma_semaphore, #tpu.memory_space<semaphore_mem>>)
    %dma_wait3A_204 = arith.constant 128 : i32
    %dma_wait3A_205 = arith.constant 0 : i32
    %dma_wait3A_206 = tpu.memref_slice %arg8[%dma_wait3A_204, %dma_wait3A_205] : memref<256x128xf32, #tpu.memory_space<vmem>> -> memref<128x128xf32, #tpu.memory_space<vmem>>
    %dma_wait3A_207 = arith.constant 640 : i32
    %dma_wait3A_208 = tpu.memref_slice %arg5[%dma_wait3A_207] : memref<5008xi32, #tpu.memory_space<vmem>> -> memref<128xi32, #tpu.memory_space<vmem>>
    %dma_wait3A_209 = arith.constant 0 : i32
    %dma_wait3A_210 = arith.constant 0 : i32
    %dma_wait3A_211 = tpu.memref_slice %arg2[%dma_wait3A_209, %dma_wait3A_210] : memref<160000x128xf32, #tpu.memory_space<hbm>> -> memref<160000x128xf32, #tpu.memory_space<hbm>>
    tpu.wait_indirect_dma semaphore(%arg11 : memref<!tpu.dma_semaphore, #tpu.memory_space<semaphore_mem>>) src(%dma_wait3A_211 : memref<160000x128xf32, #tpu.memory_space<hbm>>) dst(%dma_wait3A_206 : memref<128x128xf32, #tpu.memory_space<vmem>>)
    %add3A_212 = arith.constant 512 : i32
    %add3A_213 = arith.addi %mul3A_34, %add3A_212 : i32
    %dma_start3A_214 = arith.constant 0 : i32
    %dma_start3A_215 = arith.constant 0 : i32
    %dma_start3A_216 = tpu.memref_slice %arg8[%dma_start3A_214, %dma_start3A_215] : memref<256x128xf32, #tpu.memory_space<vmem>> -> memref<256x128xf32, #tpu.memory_space<vmem>>
    %dma_start3A_217 = arith.constant 0 : i32
    %dma_start3A_218 = tpu.memref_slice %arg4[%add3A_213, %dma_start3A_217] : memref<160000x128xf32, #tpu.memory_space<hbm>> -> memref<256x128xf32, #tpu.memory_space<hbm>>
    %dma_start3A_219 = arith.constant 0 : i32
    %dma_start3A_220 = tpu.memref_slice %arg4[%add3A_213, %dma_start3A_219] : memref<160000x128xf32, #tpu.memory_space<hbm>> -> memref<256x128xf32, #tpu.memory_space<hbm>>
    %dma_start3A_221 = arith.constant 0 : i32
    %dma_start3A_222 = arith.constant 0 : i32
    %dma_start3A_223 = tpu.memref_slice %arg8[%dma_start3A_221, %dma_start3A_222] : memref<256x128xf32, #tpu.memory_space<vmem>> -> memref<256x128xf32, #tpu.memory_space<vmem>>
    tpu.enqueue_dma source(%dma_start3A_223 : memref<256x128xf32, #tpu.memory_space<vmem>>) target(%dma_start3A_220 : memref<256x128xf32, #tpu.memory_space<hbm>>) target_semaphore(%arg14 : memref<!tpu.dma_semaphore, #tpu.memory_space<semaphore_mem>>)
    %dma_start3A_224 = arith.constant 128 : i32
    %dma_start3A_225 = arith.constant 0 : i32
    %dma_start3A_226 = tpu.memref_slice %arg7[%dma_start3A_224, %dma_start3A_225] : memref<256x128xf32, #tpu.memory_space<vmem>> -> memref<128x128xf32, #tpu.memory_space<vmem>>
    %dma_start3A_227 = arith.constant 1152 : i32
    %dma_start3A_228 = tpu.memref_slice %arg5[%dma_start3A_227] : memref<5008xi32, #tpu.memory_space<vmem>> -> memref<128xi32, #tpu.memory_space<vmem>>
    %dma_start3A_229 = arith.constant 0 : i32
    %dma_start3A_230 = arith.constant 0 : i32
    %dma_start3A_231 = tpu.memref_slice %arg2[%dma_start3A_229, %dma_start3A_230] : memref<160000x128xf32, #tpu.memory_space<hbm>> -> memref<160000x128xf32, #tpu.memory_space<hbm>>
    tpu.enqueue_indirect_dma source(%dma_start3A_231 : memref<160000x128xf32, #tpu.memory_space<hbm>>) target(%dma_start3A_226 : memref<128x128xf32, #tpu.memory_space<vmem>>) offsets(%dma_start3A_228 : memref<128xi32, #tpu.memory_space<vmem>>) semaphore(%arg10 : memref<!tpu.dma_semaphore, #tpu.memory_space<semaphore_mem>>)
    %dma_wait3A_232 = arith.constant 0 : i32
    %dma_wait3A_233 = arith.constant 0 : i32
    %dma_wait3A_234 = tpu.memref_slice %arg6[%dma_wait3A_232, %dma_wait3A_233] : memref<256x128xf32, #tpu.memory_space<vmem>> -> memref<128x128xf32, #tpu.memory_space<vmem>>
    %dma_wait3A_235 = arith.constant 768 : i32
    %dma_wait3A_236 = tpu.memref_slice %arg5[%dma_wait3A_235] : memref<5008xi32, #tpu.memory_space<vmem>> -> memref<128xi32, #tpu.memory_space<vmem>>
    %dma_wait3A_237 = arith.constant 0 : i32
    %dma_wait3A_238 = arith.constant 0 : i32
    %dma_wait3A_239 = tpu.memref_slice %arg2[%dma_wait3A_237, %dma_wait3A_238] : memref<160000x128xf32, #tpu.memory_space<hbm>> -> memref<160000x128xf32, #tpu.memory_space<hbm>>
    tpu.wait_indirect_dma semaphore(%arg9 : memref<!tpu.dma_semaphore, #tpu.memory_space<semaphore_mem>>) src(%dma_wait3A_239 : memref<160000x128xf32, #tpu.memory_space<hbm>>) dst(%dma_wait3A_234 : memref<128x128xf32, #tpu.memory_space<vmem>>)
    %dma_wait3A_240 = arith.constant 0 : i32
    %dma_wait3A_241 = arith.constant 0 : i32
    %dma_wait3A_242 = tpu.memref_slice %arg8[%dma_wait3A_240, %dma_wait3A_241] : memref<256x128xf32, #tpu.memory_space<vmem>> -> memref<256x128xf32, #tpu.memory_space<vmem>>
    %dma_wait3A_243 = arith.constant 0 : i32
    %dma_wait3A_244 = tpu.memref_slice %arg4[%add3A_213, %dma_wait3A_243] : memref<160000x128xf32, #tpu.memory_space<hbm>> -> memref<256x128xf32, #tpu.memory_space<hbm>>
    %dma_wait3A_245 = arith.constant 0 : i32
    %dma_wait3A_246 = tpu.memref_slice %arg4[%add3A_213, %dma_wait3A_245] : memref<160000x128xf32, #tpu.memory_space<hbm>> -> memref<256x128xf32, #tpu.memory_space<hbm>>
    %dma_wait3A_247 = arith.constant 0 : i32
    %dma_wait3A_248 = arith.constant 0 : i32
    %dma_wait3A_249 = tpu.memref_slice %arg8[%dma_wait3A_247, %dma_wait3A_248] : memref<256x128xf32, #tpu.memory_space<vmem>> -> memref<256x128xf32, #tpu.memory_space<vmem>>
    tpu.wait_dma2 semaphore(%arg14 : memref<!tpu.dma_semaphore, #tpu.memory_space<semaphore_mem>>) src(%dma_wait3A_249 : memref<256x128xf32, #tpu.memory_space<vmem>>) dst(%dma_wait3A_246 : memref<256x128xf32, #tpu.memory_space<hbm>>)
    %dma_start3A_250 = arith.constant 0 : i32
    %dma_start3A_251 = arith.constant 0 : i32
    %dma_start3A_252 = tpu.memref_slice %arg8[%dma_start3A_250, %dma_start3A_251] : memref<256x128xf32, #tpu.memory_space<vmem>> -> memref<128x128xf32, #tpu.memory_space<vmem>>
    %dma_start3A_253 = arith.constant 1280 : i32
    %dma_start3A_254 = tpu.memref_slice %arg5[%dma_start3A_253] : memref<5008xi32, #tpu.memory_space<vmem>> -> memref<128xi32, #tpu.memory_space<vmem>>
    %dma_start3A_255 = arith.constant 0 : i32
    %dma_start3A_256 = arith.constant 0 : i32
    %dma_start3A_257 = tpu.memref_slice %arg2[%dma_start3A_255, %dma_start3A_256] : memref<160000x128xf32, #tpu.memory_space<hbm>> -> memref<160000x128xf32, #tpu.memory_space<hbm>>
    tpu.enqueue_indirect_dma source(%dma_start3A_257 : memref<160000x128xf32, #tpu.memory_space<hbm>>) target(%dma_start3A_252 : memref<128x128xf32, #tpu.memory_space<vmem>>) offsets(%dma_start3A_254 : memref<128xi32, #tpu.memory_space<vmem>>) semaphore(%arg11 : memref<!tpu.dma_semaphore, #tpu.memory_space<semaphore_mem>>)
    %dma_wait3A_258 = arith.constant 128 : i32
    %dma_wait3A_259 = arith.constant 0 : i32
    %dma_wait3A_260 = tpu.memref_slice %arg6[%dma_wait3A_258, %dma_wait3A_259] : memref<256x128xf32, #tpu.memory_space<vmem>> -> memref<128x128xf32, #tpu.memory_space<vmem>>
    %dma_wait3A_261 = arith.constant 896 : i32
    %dma_wait3A_262 = tpu.memref_slice %arg5[%dma_wait3A_261] : memref<5008xi32, #tpu.memory_space<vmem>> -> memref<128xi32, #tpu.memory_space<vmem>>
    %dma_wait3A_263 = arith.constant 0 : i32
    %dma_wait3A_264 = arith.constant 0 : i32
    %dma_wait3A_265 = tpu.memref_slice %arg2[%dma_wait3A_263, %dma_wait3A_264] : memref<160000x128xf32, #tpu.memory_space<hbm>> -> memref<160000x128xf32, #tpu.memory_space<hbm>>
    tpu.wait_indirect_dma semaphore(%arg9 : memref<!tpu.dma_semaphore, #tpu.memory_space<semaphore_mem>>) src(%dma_wait3A_265 : memref<160000x128xf32, #tpu.memory_space<hbm>>) dst(%dma_wait3A_260 : memref<128x128xf32, #tpu.memory_space<vmem>>)
    %add3A_266 = arith.constant 768 : i32
    %add3A_267 = arith.addi %mul3A_34, %add3A_266 : i32
    %dma_start3A_268 = arith.constant 0 : i32
    %dma_start3A_269 = arith.constant 0 : i32
    %dma_start3A_270 = tpu.memref_slice %arg6[%dma_start3A_268, %dma_start3A_269] : memref<256x128xf32, #tpu.memory_space<vmem>> -> memref<256x128xf32, #tpu.memory_space<vmem>>
    %dma_start3A_271 = arith.constant 0 : i32
    %dma_start3A_272 = tpu.memref_slice %arg4[%add3A_267, %dma_start3A_271] : memref<160000x128xf32, #tpu.memory_space<hbm>> -> memref<256x128xf32, #tpu.memory_space<hbm>>
    %dma_start3A_273 = arith.constant 0 : i32
    %dma_start3A_274 = tpu.memref_slice %arg4[%add3A_267, %dma_start3A_273] : memref<160000x128xf32, #tpu.memory_space<hbm>> -> memref<256x128xf32, #tpu.memory_space<hbm>>
    %dma_start3A_275 = arith.constant 0 : i32
    %dma_start3A_276 = arith.constant 0 : i32
    %dma_start3A_277 = tpu.memref_slice %arg6[%dma_start3A_275, %dma_start3A_276] : memref<256x128xf32, #tpu.memory_space<vmem>> -> memref<256x128xf32, #tpu.memory_space<vmem>>
    tpu.enqueue_dma source(%dma_start3A_277 : memref<256x128xf32, #tpu.memory_space<vmem>>) target(%dma_start3A_274 : memref<256x128xf32, #tpu.memory_space<hbm>>) target_semaphore(%arg12 : memref<!tpu.dma_semaphore, #tpu.memory_space<semaphore_mem>>)
    %dma_start3A_278 = arith.constant 128 : i32
    %dma_start3A_279 = arith.constant 0 : i32
    %dma_start3A_280 = tpu.memref_slice %arg8[%dma_start3A_278, %dma_start3A_279] : memref<256x128xf32, #tpu.memory_space<vmem>> -> memref<128x128xf32, #tpu.memory_space<vmem>>
    %dma_start3A_281 = arith.constant 1408 : i32
    %dma_start3A_282 = tpu.memref_slice %arg5[%dma_start3A_281] : memref<5008xi32, #tpu.memory_space<vmem>> -> memref<128xi32, #tpu.memory_space<vmem>>
    %dma_start3A_283 = arith.constant 0 : i32
    %dma_start3A_284 = arith.constant 0 : i32
    %dma_start3A_285 = tpu.memref_slice %arg2[%dma_start3A_283, %dma_start3A_284] : memref<160000x128xf32, #tpu.memory_space<hbm>> -> memref<160000x128xf32, #tpu.memory_space<hbm>>
    tpu.enqueue_indirect_dma source(%dma_start3A_285 : memref<160000x128xf32, #tpu.memory_space<hbm>>) target(%dma_start3A_280 : memref<128x128xf32, #tpu.memory_space<vmem>>) offsets(%dma_start3A_282 : memref<128xi32, #tpu.memory_space<vmem>>) semaphore(%arg11 : memref<!tpu.dma_semaphore, #tpu.memory_space<semaphore_mem>>)
    %dma_wait3A_286 = arith.constant 0 : i32
    %dma_wait3A_287 = arith.constant 0 : i32
    %dma_wait3A_288 = tpu.memref_slice %arg7[%dma_wait3A_286, %dma_wait3A_287] : memref<256x128xf32, #tpu.memory_space<vmem>> -> memref<128x128xf32, #tpu.memory_space<vmem>>
    %dma_wait3A_289 = arith.constant 1024 : i32
    %dma_wait3A_290 = tpu.memref_slice %arg5[%dma_wait3A_289] : memref<5008xi32, #tpu.memory_space<vmem>> -> memref<128xi32, #tpu.memory_space<vmem>>
    %dma_wait3A_291 = arith.constant 0 : i32
    %dma_wait3A_292 = arith.constant 0 : i32
    %dma_wait3A_293 = tpu.memref_slice %arg2[%dma_wait3A_291, %dma_wait3A_292] : memref<160000x128xf32, #tpu.memory_space<hbm>> -> memref<160000x128xf32, #tpu.memory_space<hbm>>
    tpu.wait_indirect_dma semaphore(%arg10 : memref<!tpu.dma_semaphore, #tpu.memory_space<semaphore_mem>>) src(%dma_wait3A_293 : memref<160000x128xf32, #tpu.memory_space<hbm>>) dst(%dma_wait3A_288 : memref<128x128xf32, #tpu.memory_space<vmem>>)
    %dma_wait3A_294 = arith.constant 0 : i32
    %dma_wait3A_295 = arith.constant 0 : i32
    %dma_wait3A_296 = tpu.memref_slice %arg6[%dma_wait3A_294, %dma_wait3A_295] : memref<256x128xf32, #tpu.memory_space<vmem>> -> memref<256x128xf32, #tpu.memory_space<vmem>>
    %dma_wait3A_297 = arith.constant 0 : i32
    %dma_wait3A_298 = tpu.memref_slice %arg4[%add3A_267, %dma_wait3A_297] : memref<160000x128xf32, #tpu.memory_space<hbm>> -> memref<256x128xf32, #tpu.memory_space<hbm>>
    %dma_wait3A_299 = arith.constant 0 : i32
    %dma_wait3A_300 = tpu.memref_slice %arg4[%add3A_267, %dma_wait3A_299] : memref<160000x128xf32, #tpu.memory_space<hbm>> -> memref<256x128xf32, #tpu.memory_space<hbm>>
    %dma_wait3A_301 = arith.constant 0 : i32
    %dma_wait3A_302 = arith.constant 0 : i32
    %dma_wait3A_303 = tpu.memref_slice %arg6[%dma_wait3A_301, %dma_wait3A_302] : memref<256x128xf32, #tpu.memory_space<vmem>> -> memref<256x128xf32, #tpu.memory_space<vmem>>
    tpu.wait_dma2 semaphore(%arg12 : memref<!tpu.dma_semaphore, #tpu.memory_space<semaphore_mem>>) src(%dma_wait3A_303 : memref<256x128xf32, #tpu.memory_space<vmem>>) dst(%dma_wait3A_300 : memref<256x128xf32, #tpu.memory_space<hbm>>)
    %dma_start3A_304 = arith.constant 0 : i32
    %dma_start3A_305 = arith.constant 0 : i32
    %dma_start3A_306 = tpu.memref_slice %arg6[%dma_start3A_304, %dma_start3A_305] : memref<256x128xf32, #tpu.memory_space<vmem>> -> memref<128x128xf32, #tpu.memory_space<vmem>>
    %dma_start3A_307 = arith.constant 1536 : i32
    %dma_start3A_308 = tpu.memref_slice %arg5[%dma_start3A_307] : memref<5008xi32, #tpu.memory_space<vmem>> -> memref<128xi32, #tpu.memory_space<vmem>>
    %dma_start3A_309 = arith.constant 0 : i32
    %dma_start3A_310 = arith.constant 0 : i32
    %dma_start3A_311 = tpu.memref_slice %arg2[%dma_start3A_309, %dma_start3A_310] : memref<160000x128xf32, #tpu.memory_space<hbm>> -> memref<160000x128xf32, #tpu.memory_space<hbm>>
    tpu.enqueue_indirect_dma source(%dma_start3A_311 : memref<160000x128xf32, #tpu.memory_space<hbm>>) target(%dma_start3A_306 : memref<128x128xf32, #tpu.memory_space<vmem>>) offsets(%dma_start3A_308 : memref<128xi32, #tpu.memory_space<vmem>>) semaphore(%arg9 : memref<!tpu.dma_semaphore, #tpu.memory_space<semaphore_mem>>)
    %dma_wait3A_312 = arith.constant 128 : i32
    %dma_wait3A_313 = arith.constant 0 : i32
    %dma_wait3A_314 = tpu.memref_slice %arg7[%dma_wait3A_312, %dma_wait3A_313] : memref<256x128xf32, #tpu.memory_space<vmem>> -> memref<128x128xf32, #tpu.memory_space<vmem>>
    %dma_wait3A_315 = arith.constant 1152 : i32
    %dma_wait3A_316 = tpu.memref_slice %arg5[%dma_wait3A_315] : memref<5008xi32, #tpu.memory_space<vmem>> -> memref<128xi32, #tpu.memory_space<vmem>>
    %dma_wait3A_317 = arith.constant 0 : i32
    %dma_wait3A_318 = arith.constant 0 : i32
    %dma_wait3A_319 = tpu.memref_slice %arg2[%dma_wait3A_317, %dma_wait3A_318] : memref<160000x128xf32, #tpu.memory_space<hbm>> -> memref<160000x128xf32, #tpu.memory_space<hbm>>
    tpu.wait_indirect_dma semaphore(%arg10 : memref<!tpu.dma_semaphore, #tpu.memory_space<semaphore_mem>>) src(%dma_wait3A_319 : memref<160000x128xf32, #tpu.memory_space<hbm>>) dst(%dma_wait3A_314 : memref<128x128xf32, #tpu.memory_space<vmem>>)
    %add3A_320 = arith.constant 1024 : i32
    %add3A_321 = arith.addi %mul3A_34, %add3A_320 : i32
    %dma_start3A_322 = arith.constant 0 : i32
    %dma_start3A_323 = arith.constant 0 : i32
    %dma_start3A_324 = tpu.memref_slice %arg7[%dma_start3A_322, %dma_start3A_323] : memref<256x128xf32, #tpu.memory_space<vmem>> -> memref<256x128xf32, #tpu.memory_space<vmem>>
    %dma_start3A_325 = arith.constant 0 : i32
    %dma_start3A_326 = tpu.memref_slice %arg4[%add3A_321, %dma_start3A_325] : memref<160000x128xf32, #tpu.memory_space<hbm>> -> memref<256x128xf32, #tpu.memory_space<hbm>>
    %dma_start3A_327 = arith.constant 0 : i32
    %dma_start3A_328 = tpu.memref_slice %arg4[%add3A_321, %dma_start3A_327] : memref<160000x128xf32, #tpu.memory_space<hbm>> -> memref<256x128xf32, #tpu.memory_space<hbm>>
    %dma_start3A_329 = arith.constant 0 : i32
    %dma_start3A_330 = arith.constant 0 : i32
    %dma_start3A_331 = tpu.memref_slice %arg7[%dma_start3A_329, %dma_start3A_330] : memref<256x128xf32, #tpu.memory_space<vmem>> -> memref<256x128xf32, #tpu.memory_space<vmem>>
    tpu.enqueue_dma source(%dma_start3A_331 : memref<256x128xf32, #tpu.memory_space<vmem>>) target(%dma_start3A_328 : memref<256x128xf32, #tpu.memory_space<hbm>>) target_semaphore(%arg13 : memref<!tpu.dma_semaphore, #tpu.memory_space<semaphore_mem>>)
    %dma_start3A_332 = arith.constant 128 : i32
    %dma_start3A_333 = arith.constant 0 : i32
    %dma_start3A_334 = tpu.memref_slice %arg6[%dma_start3A_332, %dma_start3A_333] : memref<256x128xf32, #tpu.memory_space<vmem>> -> memref<128x128xf32, #tpu.memory_space<vmem>>
    %dma_start3A_335 = arith.constant 1664 : i32
    %dma_start3A_336 = tpu.memref_slice %arg5[%dma_start3A_335] : memref<5008xi32, #tpu.memory_space<vmem>> -> memref<128xi32, #tpu.memory_space<vmem>>
    %dma_start3A_337 = arith.constant 0 : i32
    %dma_start3A_338 = arith.constant 0 : i32
    %dma_start3A_339 = tpu.memref_slice %arg2[%dma_start3A_337, %dma_start3A_338] : memref<160000x128xf32, #tpu.memory_space<hbm>> -> memref<160000x128xf32, #tpu.memory_space<hbm>>
    tpu.enqueue_indirect_dma source(%dma_start3A_339 : memref<160000x128xf32, #tpu.memory_space<hbm>>) target(%dma_start3A_334 : memref<128x128xf32, #tpu.memory_space<vmem>>) offsets(%dma_start3A_336 : memref<128xi32, #tpu.memory_space<vmem>>) semaphore(%arg9 : memref<!tpu.dma_semaphore, #tpu.memory_space<semaphore_mem>>)
    %dma_wait3A_340 = arith.constant 0 : i32
    %dma_wait3A_341 = arith.constant 0 : i32
    %dma_wait3A_342 = tpu.memref_slice %arg8[%dma_wait3A_340, %dma_wait3A_341] : memref<256x128xf32, #tpu.memory_space<vmem>> -> memref<128x128xf32, #tpu.memory_space<vmem>>
    %dma_wait3A_343 = arith.constant 1280 : i32
    %dma_wait3A_344 = tpu.memref_slice %arg5[%dma_wait3A_343] : memref<5008xi32, #tpu.memory_space<vmem>> -> memref<128xi32, #tpu.memory_space<vmem>>
    %dma_wait3A_345 = arith.constant 0 : i32
    %dma_wait3A_346 = arith.constant 0 : i32
    %dma_wait3A_347 = tpu.memref_slice %arg2[%dma_wait3A_345, %dma_wait3A_346] : memref<160000x128xf32, #tpu.memory_space<hbm>> -> memref<160000x128xf32, #tpu.memory_space<hbm>>
    tpu.wait_indirect_dma semaphore(%arg11 : memref<!tpu.dma_semaphore, #tpu.memory_space<semaphore_mem>>) src(%dma_wait3A_347 : memref<160000x128xf32, #tpu.memory_space<hbm>>) dst(%dma_wait3A_342 : memref<128x128xf32, #tpu.memory_space<vmem>>)
    %dma_wait3A_348 = arith.constant 0 : i32
    %dma_wait3A_349 = arith.constant 0 : i32
    %dma_wait3A_350 = tpu.memref_slice %arg7[%dma_wait3A_348, %dma_wait3A_349] : memref<256x128xf32, #tpu.memory_space<vmem>> -> memref<256x128xf32, #tpu.memory_space<vmem>>
    %dma_wait3A_351 = arith.constant 0 : i32
    %dma_wait3A_352 = tpu.memref_slice %arg4[%add3A_321, %dma_wait3A_351] : memref<160000x128xf32, #tpu.memory_space<hbm>> -> memref<256x128xf32, #tpu.memory_space<hbm>>
    %dma_wait3A_353 = arith.constant 0 : i32
    %dma_wait3A_354 = tpu.memref_slice %arg4[%add3A_321, %dma_wait3A_353] : memref<160000x128xf32, #tpu.memory_space<hbm>> -> memref<256x128xf32, #tpu.memory_space<hbm>>
    %dma_wait3A_355 = arith.constant 0 : i32
    %dma_wait3A_356 = arith.constant 0 : i32
    %dma_wait3A_357 = tpu.memref_slice %arg7[%dma_wait3A_355, %dma_wait3A_356] : memref<256x128xf32, #tpu.memory_space<vmem>> -> memref<256x128xf32, #tpu.memory_space<vmem>>
    tpu.wait_dma2 semaphore(%arg13 : memref<!tpu.dma_semaphore, #tpu.memory_space<semaphore_mem>>) src(%dma_wait3A_357 : memref<256x128xf32, #tpu.memory_space<vmem>>) dst(%dma_wait3A_354 : memref<256x128xf32, #tpu.memory_space<hbm>>)
    %dma_start3A_358 = arith.constant 0 : i32
    %dma_start3A_359 = arith.constant 0 : i32
    %dma_start3A_360 = tpu.memref_slice %arg7[%dma_start3A_358, %dma_start3A_359] : memref<256x128xf32, #tpu.memory_space<vmem>> -> memref<128x128xf32, #tpu.memory_space<vmem>>
    %dma_start3A_361 = arith.constant 1792 : i32
    %dma_start3A_362 = tpu.memref_slice %arg5[%dma_start3A_361] : memref<5008xi32, #tpu.memory_space<vmem>> -> memref<128xi32, #tpu.memory_space<vmem>>
    %dma_start3A_363 = arith.constant 0 : i32
    %dma_start3A_364 = arith.constant 0 : i32
    %dma_start3A_365 = tpu.memref_slice %arg2[%dma_start3A_363, %dma_start3A_364] : memref<160000x128xf32, #tpu.memory_space<hbm>> -> memref<160000x128xf32, #tpu.memory_space<hbm>>
    tpu.enqueue_indirect_dma source(%dma_start3A_365 : memref<160000x128xf32, #tpu.memory_space<hbm>>) target(%dma_start3A_360 : memref<128x128xf32, #tpu.memory_space<vmem>>) offsets(%dma_start3A_362 : memref<128xi32, #tpu.memory_space<vmem>>) semaphore(%arg10 : memref<!tpu.dma_semaphore, #tpu.memory_space<semaphore_mem>>)
    %dma_wait3A_366 = arith.constant 128 : i32
    %dma_wait3A_367 = arith.constant 0 : i32
    %dma_wait3A_368 = tpu.memref_slice %arg8[%dma_wait3A_366, %dma_wait3A_367] : memref<256x128xf32, #tpu.memory_space<vmem>> -> memref<128x128xf32, #tpu.memory_space<vmem>>
    %dma_wait3A_369 = arith.constant 1408 : i32
    %dma_wait3A_370 = tpu.memref_slice %arg5[%dma_wait3A_369] : memref<5008xi32, #tpu.memory_space<vmem>> -> memref<128xi32, #tpu.memory_space<vmem>>
    %dma_wait3A_371 = arith.constant 0 : i32
    %dma_wait3A_372 = arith.constant 0 : i32
    %dma_wait3A_373 = tpu.memref_slice %arg2[%dma_wait3A_371, %dma_wait3A_372] : memref<160000x128xf32, #tpu.memory_space<hbm>> -> memref<160000x128xf32, #tpu.memory_space<hbm>>
    tpu.wait_indirect_dma semaphore(%arg11 : memref<!tpu.dma_semaphore, #tpu.memory_space<semaphore_mem>>) src(%dma_wait3A_373 : memref<160000x128xf32, #tpu.memory_space<hbm>>) dst(%dma_wait3A_368 : memref<128x128xf32, #tpu.memory_space<vmem>>)
    %add3A_374 = arith.constant 1280 : i32
    %add3A_375 = arith.addi %mul3A_34, %add3A_374 : i32
    %dma_start3A_376 = arith.constant 0 : i32
    %dma_start3A_377 = arith.constant 0 : i32
    %dma_start3A_378 = tpu.memref_slice %arg8[%dma_start3A_376, %dma_start3A_377] : memref<256x128xf32, #tpu.memory_space<vmem>> -> memref<256x128xf32, #tpu.memory_space<vmem>>
    %dma_start3A_379 = arith.constant 0 : i32
    %dma_start3A_380 = tpu.memref_slice %arg4[%add3A_375, %dma_start3A_379] : memref<160000x128xf32, #tpu.memory_space<hbm>> -> memref<256x128xf32, #tpu.memory_space<hbm>>
    %dma_start3A_381 = arith.constant 0 : i32
    %dma_start3A_382 = tpu.memref_slice %arg4[%add3A_375, %dma_start3A_381] : memref<160000x128xf32, #tpu.memory_space<hbm>> -> memref<256x128xf32, #tpu.memory_space<hbm>>
    %dma_start3A_383 = arith.constant 0 : i32
    %dma_start3A_384 = arith.constant 0 : i32
    %dma_start3A_385 = tpu.memref_slice %arg8[%dma_start3A_383, %dma_start3A_384] : memref<256x128xf32, #tpu.memory_space<vmem>> -> memref<256x128xf32, #tpu.memory_space<vmem>>
    tpu.enqueue_dma source(%dma_start3A_385 : memref<256x128xf32, #tpu.memory_space<vmem>>) target(%dma_start3A_382 : memref<256x128xf32, #tpu.memory_space<hbm>>) target_semaphore(%arg14 : memref<!tpu.dma_semaphore, #tpu.memory_space<semaphore_mem>>)
    %dma_start3A_386 = arith.constant 128 : i32
    %dma_start3A_387 = arith.constant 0 : i32
    %dma_start3A_388 = tpu.memref_slice %arg7[%dma_start3A_386, %dma_start3A_387] : memref<256x128xf32, #tpu.memory_space<vmem>> -> memref<128x128xf32, #tpu.memory_space<vmem>>
    %dma_start3A_389 = arith.constant 1920 : i32
    %dma_start3A_390 = tpu.memref_slice %arg5[%dma_start3A_389] : memref<5008xi32, #tpu.memory_space<vmem>> -> memref<128xi32, #tpu.memory_space<vmem>>
    %dma_start3A_391 = arith.constant 0 : i32
    %dma_start3A_392 = arith.constant 0 : i32
    %dma_start3A_393 = tpu.memref_slice %arg2[%dma_start3A_391, %dma_start3A_392] : memref<160000x128xf32, #tpu.memory_space<hbm>> -> memref<160000x128xf32, #tpu.memory_space<hbm>>
    tpu.enqueue_indirect_dma source(%dma_start3A_393 : memref<160000x128xf32, #tpu.memory_space<hbm>>) target(%dma_start3A_388 : memref<128x128xf32, #tpu.memory_space<vmem>>) offsets(%dma_start3A_390 : memref<128xi32, #tpu.memory_space<vmem>>) semaphore(%arg10 : memref<!tpu.dma_semaphore, #tpu.memory_space<semaphore_mem>>)
    %dma_wait3A_394 = arith.constant 0 : i32
    %dma_wait3A_395 = arith.constant 0 : i32
    %dma_wait3A_396 = tpu.memref_slice %arg6[%dma_wait3A_394, %dma_wait3A_395] : memref<256x128xf32, #tpu.memory_space<vmem>> -> memref<128x128xf32, #tpu.memory_space<vmem>>
    %dma_wait3A_397 = arith.constant 1536 : i32
    %dma_wait3A_398 = tpu.memref_slice %arg5[%dma_wait3A_397] : memref<5008xi32, #tpu.memory_space<vmem>> -> memref<128xi32, #tpu.memory_space<vmem>>
    %dma_wait3A_399 = arith.constant 0 : i32
    %dma_wait3A_400 = arith.constant 0 : i32
    %dma_wait3A_401 = tpu.memref_slice %arg2[%dma_wait3A_399, %dma_wait3A_400] : memref<160000x128xf32, #tpu.memory_space<hbm>> -> memref<160000x128xf32, #tpu.memory_space<hbm>>
    tpu.wait_indirect_dma semaphore(%arg9 : memref<!tpu.dma_semaphore, #tpu.memory_space<semaphore_mem>>) src(%dma_wait3A_401 : memref<160000x128xf32, #tpu.memory_space<hbm>>) dst(%dma_wait3A_396 : memref<128x128xf32, #tpu.memory_space<vmem>>)
    %dma_wait3A_402 = arith.constant 0 : i32
    %dma_wait3A_403 = arith.constant 0 : i32
    %dma_wait3A_404 = tpu.memref_slice %arg8[%dma_wait3A_402, %dma_wait3A_403] : memref<256x128xf32, #tpu.memory_space<vmem>> -> memref<256x128xf32, #tpu.memory_space<vmem>>
    %dma_wait3A_405 = arith.constant 0 : i32
    %dma_wait3A_406 = tpu.memref_slice %arg4[%add3A_375, %dma_wait3A_405] : memref<160000x128xf32, #tpu.memory_space<hbm>> -> memref<256x128xf32, #tpu.memory_space<hbm>>
    %dma_wait3A_407 = arith.constant 0 : i32
    %dma_wait3A_408 = tpu.memref_slice %arg4[%add3A_375, %dma_wait3A_407] : memref<160000x128xf32, #tpu.memory_space<hbm>> -> memref<256x128xf32, #tpu.memory_space<hbm>>
    %dma_wait3A_409 = arith.constant 0 : i32
    %dma_wait3A_410 = arith.constant 0 : i32
    %dma_wait3A_411 = tpu.memref_slice %arg8[%dma_wait3A_409, %dma_wait3A_410] : memref<256x128xf32, #tpu.memory_space<vmem>> -> memref<256x128xf32, #tpu.memory_space<vmem>>
    tpu.wait_dma2 semaphore(%arg14 : memref<!tpu.dma_semaphore, #tpu.memory_space<semaphore_mem>>) src(%dma_wait3A_411 : memref<256x128xf32, #tpu.memory_space<vmem>>) dst(%dma_wait3A_408 : memref<256x128xf32, #tpu.memory_space<hbm>>)
    %dma_start3A_412 = arith.constant 0 : i32
    %dma_start3A_413 = arith.constant 0 : i32
    %dma_start3A_414 = tpu.memref_slice %arg8[%dma_start3A_412, %dma_start3A_413] : memref<256x128xf32, #tpu.memory_space<vmem>> -> memref<128x128xf32, #tpu.memory_space<vmem>>
    %dma_start3A_415 = arith.constant 2048 : i32
    %dma_start3A_416 = tpu.memref_slice %arg5[%dma_start3A_415] : memref<5008xi32, #tpu.memory_space<vmem>> -> memref<128xi32, #tpu.memory_space<vmem>>
    %dma_start3A_417 = arith.constant 0 : i32
    %dma_start3A_418 = arith.constant 0 : i32
    %dma_start3A_419 = tpu.memref_slice %arg2[%dma_start3A_417, %dma_start3A_418] : memref<160000x128xf32, #tpu.memory_space<hbm>> -> memref<160000x128xf32, #tpu.memory_space<hbm>>
    tpu.enqueue_indirect_dma source(%dma_start3A_419 : memref<160000x128xf32, #tpu.memory_space<hbm>>) target(%dma_start3A_414 : memref<128x128xf32, #tpu.memory_space<vmem>>) offsets(%dma_start3A_416 : memref<128xi32, #tpu.memory_space<vmem>>) semaphore(%arg11 : memref<!tpu.dma_semaphore, #tpu.memory_space<semaphore_mem>>)
    %dma_wait3A_420 = arith.constant 128 : i32
    %dma_wait3A_421 = arith.constant 0 : i32
    %dma_wait3A_422 = tpu.memref_slice %arg6[%dma_wait3A_420, %dma_wait3A_421] : memref<256x128xf32, #tpu.memory_space<vmem>> -> memref<128x128xf32, #tpu.memory_space<vmem>>
    %dma_wait3A_423 = arith.constant 1664 : i32
    %dma_wait3A_424 = tpu.memref_slice %arg5[%dma_wait3A_423] : memref<5008xi32, #tpu.memory_space<vmem>> -> memref<128xi32, #tpu.memory_space<vmem>>
    %dma_wait3A_425 = arith.constant 0 : i32
    %dma_wait3A_426 = arith.constant 0 : i32
    %dma_wait3A_427 = tpu.memref_slice %arg2[%dma_wait3A_425, %dma_wait3A_426] : memref<160000x128xf32, #tpu.memory_space<hbm>> -> memref<160000x128xf32, #tpu.memory_space<hbm>>
    tpu.wait_indirect_dma semaphore(%arg9 : memref<!tpu.dma_semaphore, #tpu.memory_space<semaphore_mem>>) src(%dma_wait3A_427 : memref<160000x128xf32, #tpu.memory_space<hbm>>) dst(%dma_wait3A_422 : memref<128x128xf32, #tpu.memory_space<vmem>>)
    %add3A_428 = arith.constant 1536 : i32
    %add3A_429 = arith.addi %mul3A_34, %add3A_428 : i32
    %dma_start3A_430 = arith.constant 0 : i32
    %dma_start3A_431 = arith.constant 0 : i32
    %dma_start3A_432 = tpu.memref_slice %arg6[%dma_start3A_430, %dma_start3A_431] : memref<256x128xf32, #tpu.memory_space<vmem>> -> memref<256x128xf32, #tpu.memory_space<vmem>>
    %dma_start3A_433 = arith.constant 0 : i32
    %dma_start3A_434 = tpu.memref_slice %arg4[%add3A_429, %dma_start3A_433] : memref<160000x128xf32, #tpu.memory_space<hbm>> -> memref<256x128xf32, #tpu.memory_space<hbm>>
    %dma_start3A_435 = arith.constant 0 : i32
    %dma_start3A_436 = tpu.memref_slice %arg4[%add3A_429, %dma_start3A_435] : memref<160000x128xf32, #tpu.memory_space<hbm>> -> memref<256x128xf32, #tpu.memory_space<hbm>>
    %dma_start3A_437 = arith.constant 0 : i32
    %dma_start3A_438 = arith.constant 0 : i32
    %dma_start3A_439 = tpu.memref_slice %arg6[%dma_start3A_437, %dma_start3A_438] : memref<256x128xf32, #tpu.memory_space<vmem>> -> memref<256x128xf32, #tpu.memory_space<vmem>>
    tpu.enqueue_dma source(%dma_start3A_439 : memref<256x128xf32, #tpu.memory_space<vmem>>) target(%dma_start3A_436 : memref<256x128xf32, #tpu.memory_space<hbm>>) target_semaphore(%arg12 : memref<!tpu.dma_semaphore, #tpu.memory_space<semaphore_mem>>)
    %dma_start3A_440 = arith.constant 128 : i32
    %dma_start3A_441 = arith.constant 0 : i32
    %dma_start3A_442 = tpu.memref_slice %arg8[%dma_start3A_440, %dma_start3A_441] : memref<256x128xf32, #tpu.memory_space<vmem>> -> memref<128x128xf32, #tpu.memory_space<vmem>>
    %dma_start3A_443 = arith.constant 2176 : i32
    %dma_start3A_444 = tpu.memref_slice %arg5[%dma_start3A_443] : memref<5008xi32, #tpu.memory_space<vmem>> -> memref<128xi32, #tpu.memory_space<vmem>>
    %dma_start3A_445 = arith.constant 0 : i32
    %dma_start3A_446 = arith.constant 0 : i32
    %dma_start3A_447 = tpu.memref_slice %arg2[%dma_start3A_445, %dma_start3A_446] : memref<160000x128xf32, #tpu.memory_space<hbm>> -> memref<160000x128xf32, #tpu.memory_space<hbm>>
    tpu.enqueue_indirect_dma source(%dma_start3A_447 : memref<160000x128xf32, #tpu.memory_space<hbm>>) target(%dma_start3A_442 : memref<128x128xf32, #tpu.memory_space<vmem>>) offsets(%dma_start3A_444 : memref<128xi32, #tpu.memory_space<vmem>>) semaphore(%arg11 : memref<!tpu.dma_semaphore, #tpu.memory_space<semaphore_mem>>)
    %dma_wait3A_448 = arith.constant 0 : i32
    %dma_wait3A_449 = arith.constant 0 : i32
    %dma_wait3A_450 = tpu.memref_slice %arg7[%dma_wait3A_448, %dma_wait3A_449] : memref<256x128xf32, #tpu.memory_space<vmem>> -> memref<128x128xf32, #tpu.memory_space<vmem>>
    %dma_wait3A_451 = arith.constant 1792 : i32
    %dma_wait3A_452 = tpu.memref_slice %arg5[%dma_wait3A_451] : memref<5008xi32, #tpu.memory_space<vmem>> -> memref<128xi32, #tpu.memory_space<vmem>>
    %dma_wait3A_453 = arith.constant 0 : i32
    %dma_wait3A_454 = arith.constant 0 : i32
    %dma_wait3A_455 = tpu.memref_slice %arg2[%dma_wait3A_453, %dma_wait3A_454] : memref<160000x128xf32, #tpu.memory_space<hbm>> -> memref<160000x128xf32, #tpu.memory_space<hbm>>
    tpu.wait_indirect_dma semaphore(%arg10 : memref<!tpu.dma_semaphore, #tpu.memory_space<semaphore_mem>>) src(%dma_wait3A_455 : memref<160000x128xf32, #tpu.memory_space<hbm>>) dst(%dma_wait3A_450 : memref<128x128xf32, #tpu.memory_space<vmem>>)
    %dma_wait3A_456 = arith.constant 0 : i32
    %dma_wait3A_457 = arith.constant 0 : i32
    %dma_wait3A_458 = tpu.memref_slice %arg6[%dma_wait3A_456, %dma_wait3A_457] : memref<256x128xf32, #tpu.memory_space<vmem>> -> memref<256x128xf32, #tpu.memory_space<vmem>>
    %dma_wait3A_459 = arith.constant 0 : i32
    %dma_wait3A_460 = tpu.memref_slice %arg4[%add3A_429, %dma_wait3A_459] : memref<160000x128xf32, #tpu.memory_space<hbm>> -> memref<256x128xf32, #tpu.memory_space<hbm>>
    %dma_wait3A_461 = arith.constant 0 : i32
    %dma_wait3A_462 = tpu.memref_slice %arg4[%add3A_429, %dma_wait3A_461] : memref<160000x128xf32, #tpu.memory_space<hbm>> -> memref<256x128xf32, #tpu.memory_space<hbm>>
    %dma_wait3A_463 = arith.constant 0 : i32
    %dma_wait3A_464 = arith.constant 0 : i32
    %dma_wait3A_465 = tpu.memref_slice %arg6[%dma_wait3A_463, %dma_wait3A_464] : memref<256x128xf32, #tpu.memory_space<vmem>> -> memref<256x128xf32, #tpu.memory_space<vmem>>
    tpu.wait_dma2 semaphore(%arg12 : memref<!tpu.dma_semaphore, #tpu.memory_space<semaphore_mem>>) src(%dma_wait3A_465 : memref<256x128xf32, #tpu.memory_space<vmem>>) dst(%dma_wait3A_462 : memref<256x128xf32, #tpu.memory_space<hbm>>)
    %dma_start3A_466 = arith.constant 0 : i32
    %dma_start3A_467 = arith.constant 0 : i32
    %dma_start3A_468 = tpu.memref_slice %arg6[%dma_start3A_466, %dma_start3A_467] : memref<256x128xf32, #tpu.memory_space<vmem>> -> memref<128x128xf32, #tpu.memory_space<vmem>>
    %dma_start3A_469 = arith.constant 2304 : i32
    %dma_start3A_470 = tpu.memref_slice %arg5[%dma_start3A_469] : memref<5008xi32, #tpu.memory_space<vmem>> -> memref<128xi32, #tpu.memory_space<vmem>>
    %dma_start3A_471 = arith.constant 0 : i32
    %dma_start3A_472 = arith.constant 0 : i32
    %dma_start3A_473 = tpu.memref_slice %arg2[%dma_start3A_471, %dma_start3A_472] : memref<160000x128xf32, #tpu.memory_space<hbm>> -> memref<160000x128xf32, #tpu.memory_space<hbm>>
    tpu.enqueue_indirect_dma source(%dma_start3A_473 : memref<160000x128xf32, #tpu.memory_space<hbm>>) target(%dma_start3A_468 : memref<128x128xf32, #tpu.memory_space<vmem>>) offsets(%dma_start3A_470 : memref<128xi32, #tpu.memory_space<vmem>>) semaphore(%arg9 : memref<!tpu.dma_semaphore, #tpu.memory_space<semaphore_mem>>)
    %dma_wait3A_474 = arith.constant 128 : i32
    %dma_wait3A_475 = arith.constant 0 : i32
    %dma_wait3A_476 = tpu.memref_slice %arg7[%dma_wait3A_474, %dma_wait3A_475] : memref<256x128xf32, #tpu.memory_space<vmem>> -> memref<128x128xf32, #tpu.memory_space<vmem>>
    %dma_wait3A_477 = arith.constant 1920 : i32
    %dma_wait3A_478 = tpu.memref_slice %arg5[%dma_wait3A_477] : memref<5008xi32, #tpu.memory_space<vmem>> -> memref<128xi32, #tpu.memory_space<vmem>>
    %dma_wait3A_479 = arith.constant 0 : i32
    %dma_wait3A_480 = arith.constant 0 : i32
    %dma_wait3A_481 = tpu.memref_slice %arg2[%dma_wait3A_479, %dma_wait3A_480] : memref<160000x128xf32, #tpu.memory_space<hbm>> -> memref<160000x128xf32, #tpu.memory_space<hbm>>
    tpu.wait_indirect_dma semaphore(%arg10 : memref<!tpu.dma_semaphore, #tpu.memory_space<semaphore_mem>>) src(%dma_wait3A_481 : memref<160000x128xf32, #tpu.memory_space<hbm>>) dst(%dma_wait3A_476 : memref<128x128xf32, #tpu.memory_space<vmem>>)
    %add3A_482 = arith.constant 1792 : i32
    %add3A_483 = arith.addi %mul3A_34, %add3A_482 : i32
    %dma_start3A_484 = arith.constant 0 : i32
    %dma_start3A_485 = arith.constant 0 : i32
    %dma_start3A_486 = tpu.memref_slice %arg7[%dma_start3A_484, %dma_start3A_485] : memref<256x128xf32, #tpu.memory_space<vmem>> -> memref<256x128xf32, #tpu.memory_space<vmem>>
    %dma_start3A_487 = arith.constant 0 : i32
    %dma_start3A_488 = tpu.memref_slice %arg4[%add3A_483, %dma_start3A_487] : memref<160000x128xf32, #tpu.memory_space<hbm>> -> memref<256x128xf32, #tpu.memory_space<hbm>>
    %dma_start3A_489 = arith.constant 0 : i32
    %dma_start3A_490 = tpu.memref_slice %arg4[%add3A_483, %dma_start3A_489] : memref<160000x128xf32, #tpu.memory_space<hbm>> -> memref<256x128xf32, #tpu.memory_space<hbm>>
    %dma_start3A_491 = arith.constant 0 : i32
    %dma_start3A_492 = arith.constant 0 : i32
    %dma_start3A_493 = tpu.memref_slice %arg7[%dma_start3A_491, %dma_start3A_492] : memref<256x128xf32, #tpu.memory_space<vmem>> -> memref<256x128xf32, #tpu.memory_space<vmem>>
    tpu.enqueue_dma source(%dma_start3A_493 : memref<256x128xf32, #tpu.memory_space<vmem>>) target(%dma_start3A_490 : memref<256x128xf32, #tpu.memory_space<hbm>>) target_semaphore(%arg13 : memref<!tpu.dma_semaphore, #tpu.memory_space<semaphore_mem>>)
    %dma_start3A_494 = arith.constant 128 : i32
    %dma_start3A_495 = arith.constant 0 : i32
    %dma_start3A_496 = tpu.memref_slice %arg6[%dma_start3A_494, %dma_start3A_495] : memref<256x128xf32, #tpu.memory_space<vmem>> -> memref<128x128xf32, #tpu.memory_space<vmem>>
    %dma_start3A_497 = arith.constant 2432 : i32
    %dma_start3A_498 = tpu.memref_slice %arg5[%dma_start3A_497] : memref<5008xi32, #tpu.memory_space<vmem>> -> memref<128xi32, #tpu.memory_space<vmem>>
    %dma_start3A_499 = arith.constant 0 : i32
    %dma_start3A_500 = arith.constant 0 : i32
    %dma_start3A_501 = tpu.memref_slice %arg2[%dma_start3A_499, %dma_start3A_500] : memref<160000x128xf32, #tpu.memory_space<hbm>> -> memref<160000x128xf32, #tpu.memory_space<hbm>>
    tpu.enqueue_indirect_dma source(%dma_start3A_501 : memref<160000x128xf32, #tpu.memory_space<hbm>>) target(%dma_start3A_496 : memref<128x128xf32, #tpu.memory_space<vmem>>) offsets(%dma_start3A_498 : memref<128xi32, #tpu.memory_space<vmem>>) semaphore(%arg9 : memref<!tpu.dma_semaphore, #tpu.memory_space<semaphore_mem>>)
    %dma_wait3A_502 = arith.constant 0 : i32
    %dma_wait3A_503 = arith.constant 0 : i32
    %dma_wait3A_504 = tpu.memref_slice %arg8[%dma_wait3A_502, %dma_wait3A_503] : memref<256x128xf32, #tpu.memory_space<vmem>> -> memref<128x128xf32, #tpu.memory_space<vmem>>
    %dma_wait3A_505 = arith.constant 2048 : i32
    %dma_wait3A_506 = tpu.memref_slice %arg5[%dma_wait3A_505] : memref<5008xi32, #tpu.memory_space<vmem>> -> memref<128xi32, #tpu.memory_space<vmem>>
    %dma_wait3A_507 = arith.constant 0 : i32
    %dma_wait3A_508 = arith.constant 0 : i32
    %dma_wait3A_509 = tpu.memref_slice %arg2[%dma_wait3A_507, %dma_wait3A_508] : memref<160000x128xf32, #tpu.memory_space<hbm>> -> memref<160000x128xf32, #tpu.memory_space<hbm>>
    tpu.wait_indirect_dma semaphore(%arg11 : memref<!tpu.dma_semaphore, #tpu.memory_space<semaphore_mem>>) src(%dma_wait3A_509 : memref<160000x128xf32, #tpu.memory_space<hbm>>) dst(%dma_wait3A_504 : memref<128x128xf32, #tpu.memory_space<vmem>>)
    %dma_wait3A_510 = arith.constant 0 : i32
    %dma_wait3A_511 = arith.constant 0 : i32
    %dma_wait3A_512 = tpu.memref_slice %arg7[%dma_wait3A_510, %dma_wait3A_511] : memref<256x128xf32, #tpu.memory_space<vmem>> -> memref<256x128xf32, #tpu.memory_space<vmem>>
    %dma_wait3A_513 = arith.constant 0 : i32
    %dma_wait3A_514 = tpu.memref_slice %arg4[%add3A_483, %dma_wait3A_513] : memref<160000x128xf32, #tpu.memory_space<hbm>> -> memref<256x128xf32, #tpu.memory_space<hbm>>
    %dma_wait3A_515 = arith.constant 0 : i32
    %dma_wait3A_516 = tpu.memref_slice %arg4[%add3A_483, %dma_wait3A_515] : memref<160000x128xf32, #tpu.memory_space<hbm>> -> memref<256x128xf32, #tpu.memory_space<hbm>>
    %dma_wait3A_517 = arith.constant 0 : i32
    %dma_wait3A_518 = arith.constant 0 : i32
    %dma_wait3A_519 = tpu.memref_slice %arg7[%dma_wait3A_517, %dma_wait3A_518] : memref<256x128xf32, #tpu.memory_space<vmem>> -> memref<256x128xf32, #tpu.memory_space<vmem>>
    tpu.wait_dma2 semaphore(%arg13 : memref<!tpu.dma_semaphore, #tpu.memory_space<semaphore_mem>>) src(%dma_wait3A_519 : memref<256x128xf32, #tpu.memory_space<vmem>>) dst(%dma_wait3A_516 : memref<256x128xf32, #tpu.memory_space<hbm>>)
    %dma_start3A_520 = arith.constant 0 : i32
    %dma_start3A_521 = arith.constant 0 : i32
    %dma_start3A_522 = tpu.memref_slice %arg7[%dma_start3A_520, %dma_start3A_521] : memref<256x128xf32, #tpu.memory_space<vmem>> -> memref<128x128xf32, #tpu.memory_space<vmem>>
    %dma_start3A_523 = arith.constant 2560 : i32
    %dma_start3A_524 = tpu.memref_slice %arg5[%dma_start3A_523] : memref<5008xi32, #tpu.memory_space<vmem>> -> memref<128xi32, #tpu.memory_space<vmem>>
    %dma_start3A_525 = arith.constant 0 : i32
    %dma_start3A_526 = arith.constant 0 : i32
    %dma_start3A_527 = tpu.memref_slice %arg2[%dma_start3A_525, %dma_start3A_526] : memref<160000x128xf32, #tpu.memory_space<hbm>> -> memref<160000x128xf32, #tpu.memory_space<hbm>>
    tpu.enqueue_indirect_dma source(%dma_start3A_527 : memref<160000x128xf32, #tpu.memory_space<hbm>>) target(%dma_start3A_522 : memref<128x128xf32, #tpu.memory_space<vmem>>) offsets(%dma_start3A_524 : memref<128xi32, #tpu.memory_space<vmem>>) semaphore(%arg10 : memref<!tpu.dma_semaphore, #tpu.memory_space<semaphore_mem>>)
    %dma_wait3A_528 = arith.constant 128 : i32
    %dma_wait3A_529 = arith.constant 0 : i32
    %dma_wait3A_530 = tpu.memref_slice %arg8[%dma_wait3A_528, %dma_wait3A_529] : memref<256x128xf32, #tpu.memory_space<vmem>> -> memref<128x128xf32, #tpu.memory_space<vmem>>
    %dma_wait3A_531 = arith.constant 2176 : i32
    %dma_wait3A_532 = tpu.memref_slice %arg5[%dma_wait3A_531] : memref<5008xi32, #tpu.memory_space<vmem>> -> memref<128xi32, #tpu.memory_space<vmem>>
    %dma_wait3A_533 = arith.constant 0 : i32
    %dma_wait3A_534 = arith.constant 0 : i32
    %dma_wait3A_535 = tpu.memref_slice %arg2[%dma_wait3A_533, %dma_wait3A_534] : memref<160000x128xf32, #tpu.memory_space<hbm>> -> memref<160000x128xf32, #tpu.memory_space<hbm>>
    tpu.wait_indirect_dma semaphore(%arg11 : memref<!tpu.dma_semaphore, #tpu.memory_space<semaphore_mem>>) src(%dma_wait3A_535 : memref<160000x128xf32, #tpu.memory_space<hbm>>) dst(%dma_wait3A_530 : memref<128x128xf32, #tpu.memory_space<vmem>>)
    %add3A_536 = arith.constant 2048 : i32
    %add3A_537 = arith.addi %mul3A_34, %add3A_536 : i32
    %dma_start3A_538 = arith.constant 0 : i32
    %dma_start3A_539 = arith.constant 0 : i32
    %dma_start3A_540 = tpu.memref_slice %arg8[%dma_start3A_538, %dma_start3A_539] : memref<256x128xf32, #tpu.memory_space<vmem>> -> memref<256x128xf32, #tpu.memory_space<vmem>>
    %dma_start3A_541 = arith.constant 0 : i32
    %dma_start3A_542 = tpu.memref_slice %arg4[%add3A_537, %dma_start3A_541] : memref<160000x128xf32, #tpu.memory_space<hbm>> -> memref<256x128xf32, #tpu.memory_space<hbm>>
    %dma_start3A_543 = arith.constant 0 : i32
    %dma_start3A_544 = tpu.memref_slice %arg4[%add3A_537, %dma_start3A_543] : memref<160000x128xf32, #tpu.memory_space<hbm>> -> memref<256x128xf32, #tpu.memory_space<hbm>>
    %dma_start3A_545 = arith.constant 0 : i32
    %dma_start3A_546 = arith.constant 0 : i32
    %dma_start3A_547 = tpu.memref_slice %arg8[%dma_start3A_545, %dma_start3A_546] : memref<256x128xf32, #tpu.memory_space<vmem>> -> memref<256x128xf32, #tpu.memory_space<vmem>>
    tpu.enqueue_dma source(%dma_start3A_547 : memref<256x128xf32, #tpu.memory_space<vmem>>) target(%dma_start3A_544 : memref<256x128xf32, #tpu.memory_space<hbm>>) target_semaphore(%arg14 : memref<!tpu.dma_semaphore, #tpu.memory_space<semaphore_mem>>)
    %dma_start3A_548 = arith.constant 128 : i32
    %dma_start3A_549 = arith.constant 0 : i32
    %dma_start3A_550 = tpu.memref_slice %arg7[%dma_start3A_548, %dma_start3A_549] : memref<256x128xf32, #tpu.memory_space<vmem>> -> memref<128x128xf32, #tpu.memory_space<vmem>>
    %dma_start3A_551 = arith.constant 2688 : i32
    %dma_start3A_552 = tpu.memref_slice %arg5[%dma_start3A_551] : memref<5008xi32, #tpu.memory_space<vmem>> -> memref<128xi32, #tpu.memory_space<vmem>>
    %dma_start3A_553 = arith.constant 0 : i32
    %dma_start3A_554 = arith.constant 0 : i32
    %dma_start3A_555 = tpu.memref_slice %arg2[%dma_start3A_553, %dma_start3A_554] : memref<160000x128xf32, #tpu.memory_space<hbm>> -> memref<160000x128xf32, #tpu.memory_space<hbm>>
    tpu.enqueue_indirect_dma source(%dma_start3A_555 : memref<160000x128xf32, #tpu.memory_space<hbm>>) target(%dma_start3A_550 : memref<128x128xf32, #tpu.memory_space<vmem>>) offsets(%dma_start3A_552 : memref<128xi32, #tpu.memory_space<vmem>>) semaphore(%arg10 : memref<!tpu.dma_semaphore, #tpu.memory_space<semaphore_mem>>)
    %dma_wait3A_556 = arith.constant 0 : i32
    %dma_wait3A_557 = arith.constant 0 : i32
    %dma_wait3A_558 = tpu.memref_slice %arg6[%dma_wait3A_556, %dma_wait3A_557] : memref<256x128xf32, #tpu.memory_space<vmem>> -> memref<128x128xf32, #tpu.memory_space<vmem>>
    %dma_wait3A_559 = arith.constant 2304 : i32
    %dma_wait3A_560 = tpu.memref_slice %arg5[%dma_wait3A_559] : memref<5008xi32, #tpu.memory_space<vmem>> -> memref<128xi32, #tpu.memory_space<vmem>>
    %dma_wait3A_561 = arith.constant 0 : i32
    %dma_wait3A_562 = arith.constant 0 : i32
    %dma_wait3A_563 = tpu.memref_slice %arg2[%dma_wait3A_561, %dma_wait3A_562] : memref<160000x128xf32, #tpu.memory_space<hbm>> -> memref<160000x128xf32, #tpu.memory_space<hbm>>
    tpu.wait_indirect_dma semaphore(%arg9 : memref<!tpu.dma_semaphore, #tpu.memory_space<semaphore_mem>>) src(%dma_wait3A_563 : memref<160000x128xf32, #tpu.memory_space<hbm>>) dst(%dma_wait3A_558 : memref<128x128xf32, #tpu.memory_space<vmem>>)
    %dma_wait3A_564 = arith.constant 0 : i32
    %dma_wait3A_565 = arith.constant 0 : i32
    %dma_wait3A_566 = tpu.memref_slice %arg8[%dma_wait3A_564, %dma_wait3A_565] : memref<256x128xf32, #tpu.memory_space<vmem>> -> memref<256x128xf32, #tpu.memory_space<vmem>>
    %dma_wait3A_567 = arith.constant 0 : i32
    %dma_wait3A_568 = tpu.memref_slice %arg4[%add3A_537, %dma_wait3A_567] : memref<160000x128xf32, #tpu.memory_space<hbm>> -> memref<256x128xf32, #tpu.memory_space<hbm>>
    %dma_wait3A_569 = arith.constant 0 : i32
    %dma_wait3A_570 = tpu.memref_slice %arg4[%add3A_537, %dma_wait3A_569] : memref<160000x128xf32, #tpu.memory_space<hbm>> -> memref<256x128xf32, #tpu.memory_space<hbm>>
    %dma_wait3A_571 = arith.constant 0 : i32
    %dma_wait3A_572 = arith.constant 0 : i32
    %dma_wait3A_573 = tpu.memref_slice %arg8[%dma_wait3A_571, %dma_wait3A_572] : memref<256x128xf32, #tpu.memory_space<vmem>> -> memref<256x128xf32, #tpu.memory_space<vmem>>
    tpu.wait_dma2 semaphore(%arg14 : memref<!tpu.dma_semaphore, #tpu.memory_space<semaphore_mem>>) src(%dma_wait3A_573 : memref<256x128xf32, #tpu.memory_space<vmem>>) dst(%dma_wait3A_570 : memref<256x128xf32, #tpu.memory_space<hbm>>)
    %dma_start3A_574 = arith.constant 0 : i32
    %dma_start3A_575 = arith.constant 0 : i32
    %dma_start3A_576 = tpu.memref_slice %arg8[%dma_start3A_574, %dma_start3A_575] : memref<256x128xf32, #tpu.memory_space<vmem>> -> memref<128x128xf32, #tpu.memory_space<vmem>>
    %dma_start3A_577 = arith.constant 2816 : i32
    %dma_start3A_578 = tpu.memref_slice %arg5[%dma_start3A_577] : memref<5008xi32, #tpu.memory_space<vmem>> -> memref<128xi32, #tpu.memory_space<vmem>>
    %dma_start3A_579 = arith.constant 0 : i32
    %dma_start3A_580 = arith.constant 0 : i32
    %dma_start3A_581 = tpu.memref_slice %arg2[%dma_start3A_579, %dma_start3A_580] : memref<160000x128xf32, #tpu.memory_space<hbm>> -> memref<160000x128xf32, #tpu.memory_space<hbm>>
    tpu.enqueue_indirect_dma source(%dma_start3A_581 : memref<160000x128xf32, #tpu.memory_space<hbm>>) target(%dma_start3A_576 : memref<128x128xf32, #tpu.memory_space<vmem>>) offsets(%dma_start3A_578 : memref<128xi32, #tpu.memory_space<vmem>>) semaphore(%arg11 : memref<!tpu.dma_semaphore, #tpu.memory_space<semaphore_mem>>)
    %dma_wait3A_582 = arith.constant 128 : i32
    %dma_wait3A_583 = arith.constant 0 : i32
    %dma_wait3A_584 = tpu.memref_slice %arg6[%dma_wait3A_582, %dma_wait3A_583] : memref<256x128xf32, #tpu.memory_space<vmem>> -> memref<128x128xf32, #tpu.memory_space<vmem>>
    %dma_wait3A_585 = arith.constant 2432 : i32
    %dma_wait3A_586 = tpu.memref_slice %arg5[%dma_wait3A_585] : memref<5008xi32, #tpu.memory_space<vmem>> -> memref<128xi32, #tpu.memory_space<vmem>>
    %dma_wait3A_587 = arith.constant 0 : i32
    %dma_wait3A_588 = arith.constant 0 : i32
    %dma_wait3A_589 = tpu.memref_slice %arg2[%dma_wait3A_587, %dma_wait3A_588] : memref<160000x128xf32, #tpu.memory_space<hbm>> -> memref<160000x128xf32, #tpu.memory_space<hbm>>
    tpu.wait_indirect_dma semaphore(%arg9 : memref<!tpu.dma_semaphore, #tpu.memory_space<semaphore_mem>>) src(%dma_wait3A_589 : memref<160000x128xf32, #tpu.memory_space<hbm>>) dst(%dma_wait3A_584 : memref<128x128xf32, #tpu.memory_space<vmem>>)
    %add3A_590 = arith.constant 2304 : i32
    %add3A_591 = arith.addi %mul3A_34, %add3A_590 : i32
    %dma_start3A_592 = arith.constant 0 : i32
    %dma_start3A_593 = arith.constant 0 : i32
    %dma_start3A_594 = tpu.memref_slice %arg6[%dma_start3A_592, %dma_start3A_593] : memref<256x128xf32, #tpu.memory_space<vmem>> -> memref<256x128xf32, #tpu.memory_space<vmem>>
    %dma_start3A_595 = arith.constant 0 : i32
    %dma_start3A_596 = tpu.memref_slice %arg4[%add3A_591, %dma_start3A_595] : memref<160000x128xf32, #tpu.memory_space<hbm>> -> memref<256x128xf32, #tpu.memory_space<hbm>>
    %dma_start3A_597 = arith.constant 0 : i32
    %dma_start3A_598 = tpu.memref_slice %arg4[%add3A_591, %dma_start3A_597] : memref<160000x128xf32, #tpu.memory_space<hbm>> -> memref<256x128xf32, #tpu.memory_space<hbm>>
    %dma_start3A_599 = arith.constant 0 : i32
    %dma_start3A_600 = arith.constant 0 : i32
    %dma_start3A_601 = tpu.memref_slice %arg6[%dma_start3A_599, %dma_start3A_600] : memref<256x128xf32, #tpu.memory_space<vmem>> -> memref<256x128xf32, #tpu.memory_space<vmem>>
    tpu.enqueue_dma source(%dma_start3A_601 : memref<256x128xf32, #tpu.memory_space<vmem>>) target(%dma_start3A_598 : memref<256x128xf32, #tpu.memory_space<hbm>>) target_semaphore(%arg12 : memref<!tpu.dma_semaphore, #tpu.memory_space<semaphore_mem>>)
    %dma_start3A_602 = arith.constant 128 : i32
    %dma_start3A_603 = arith.constant 0 : i32
    %dma_start3A_604 = tpu.memref_slice %arg8[%dma_start3A_602, %dma_start3A_603] : memref<256x128xf32, #tpu.memory_space<vmem>> -> memref<128x128xf32, #tpu.memory_space<vmem>>
    %dma_start3A_605 = arith.constant 2944 : i32
    %dma_start3A_606 = tpu.memref_slice %arg5[%dma_start3A_605] : memref<5008xi32, #tpu.memory_space<vmem>> -> memref<128xi32, #tpu.memory_space<vmem>>
    %dma_start3A_607 = arith.constant 0 : i32
    %dma_start3A_608 = arith.constant 0 : i32
    %dma_start3A_609 = tpu.memref_slice %arg2[%dma_start3A_607, %dma_start3A_608] : memref<160000x128xf32, #tpu.memory_space<hbm>> -> memref<160000x128xf32, #tpu.memory_space<hbm>>
    tpu.enqueue_indirect_dma source(%dma_start3A_609 : memref<160000x128xf32, #tpu.memory_space<hbm>>) target(%dma_start3A_604 : memref<128x128xf32, #tpu.memory_space<vmem>>) offsets(%dma_start3A_606 : memref<128xi32, #tpu.memory_space<vmem>>) semaphore(%arg11 : memref<!tpu.dma_semaphore, #tpu.memory_space<semaphore_mem>>)
    %dma_wait3A_610 = arith.constant 0 : i32
    %dma_wait3A_611 = arith.constant 0 : i32
    %dma_wait3A_612 = tpu.memref_slice %arg7[%dma_wait3A_610, %dma_wait3A_611] : memref<256x128xf32, #tpu.memory_space<vmem>> -> memref<128x128xf32, #tpu.memory_space<vmem>>
    %dma_wait3A_613 = arith.constant 2560 : i32
    %dma_wait3A_614 = tpu.memref_slice %arg5[%dma_wait3A_613] : memref<5008xi32, #tpu.memory_space<vmem>> -> memref<128xi32, #tpu.memory_space<vmem>>
    %dma_wait3A_615 = arith.constant 0 : i32
    %dma_wait3A_616 = arith.constant 0 : i32
    %dma_wait3A_617 = tpu.memref_slice %arg2[%dma_wait3A_615, %dma_wait3A_616] : memref<160000x128xf32, #tpu.memory_space<hbm>> -> memref<160000x128xf32, #tpu.memory_space<hbm>>
    tpu.wait_indirect_dma semaphore(%arg10 : memref<!tpu.dma_semaphore, #tpu.memory_space<semaphore_mem>>) src(%dma_wait3A_617 : memref<160000x128xf32, #tpu.memory_space<hbm>>) dst(%dma_wait3A_612 : memref<128x128xf32, #tpu.memory_space<vmem>>)
    %dma_wait3A_618 = arith.constant 0 : i32
    %dma_wait3A_619 = arith.constant 0 : i32
    %dma_wait3A_620 = tpu.memref_slice %arg6[%dma_wait3A_618, %dma_wait3A_619] : memref<256x128xf32, #tpu.memory_space<vmem>> -> memref<256x128xf32, #tpu.memory_space<vmem>>
    %dma_wait3A_621 = arith.constant 0 : i32
    %dma_wait3A_622 = tpu.memref_slice %arg4[%add3A_591, %dma_wait3A_621] : memref<160000x128xf32, #tpu.memory_space<hbm>> -> memref<256x128xf32, #tpu.memory_space<hbm>>
    %dma_wait3A_623 = arith.constant 0 : i32
    %dma_wait3A_624 = tpu.memref_slice %arg4[%add3A_591, %dma_wait3A_623] : memref<160000x128xf32, #tpu.memory_space<hbm>> -> memref<256x128xf32, #tpu.memory_space<hbm>>
    %dma_wait3A_625 = arith.constant 0 : i32
    %dma_wait3A_626 = arith.constant 0 : i32
    %dma_wait3A_627 = tpu.memref_slice %arg6[%dma_wait3A_625, %dma_wait3A_626] : memref<256x128xf32, #tpu.memory_space<vmem>> -> memref<256x128xf32, #tpu.memory_space<vmem>>
    tpu.wait_dma2 semaphore(%arg12 : memref<!tpu.dma_semaphore, #tpu.memory_space<semaphore_mem>>) src(%dma_wait3A_627 : memref<256x128xf32, #tpu.memory_space<vmem>>) dst(%dma_wait3A_624 : memref<256x128xf32, #tpu.memory_space<hbm>>)
    %dma_start3A_628 = arith.constant 0 : i32
    %dma_start3A_629 = arith.constant 0 : i32
    %dma_start3A_630 = tpu.memref_slice %arg6[%dma_start3A_628, %dma_start3A_629] : memref<256x128xf32, #tpu.memory_space<vmem>> -> memref<128x128xf32, #tpu.memory_space<vmem>>
    %dma_start3A_631 = arith.constant 3072 : i32
    %dma_start3A_632 = tpu.memref_slice %arg5[%dma_start3A_631] : memref<5008xi32, #tpu.memory_space<vmem>> -> memref<128xi32, #tpu.memory_space<vmem>>
    %dma_start3A_633 = arith.constant 0 : i32
    %dma_start3A_634 = arith.constant 0 : i32
    %dma_start3A_635 = tpu.memref_slice %arg2[%dma_start3A_633, %dma_start3A_634] : memref<160000x128xf32, #tpu.memory_space<hbm>> -> memref<160000x128xf32, #tpu.memory_space<hbm>>
    tpu.enqueue_indirect_dma source(%dma_start3A_635 : memref<160000x128xf32, #tpu.memory_space<hbm>>) target(%dma_start3A_630 : memref<128x128xf32, #tpu.memory_space<vmem>>) offsets(%dma_start3A_632 : memref<128xi32, #tpu.memory_space<vmem>>) semaphore(%arg9 : memref<!tpu.dma_semaphore, #tpu.memory_space<semaphore_mem>>)
    %dma_wait3A_636 = arith.constant 128 : i32
    %dma_wait3A_637 = arith.constant 0 : i32
    %dma_wait3A_638 = tpu.memref_slice %arg7[%dma_wait3A_636, %dma_wait3A_637] : memref<256x128xf32, #tpu.memory_space<vmem>> -> memref<128x128xf32, #tpu.memory_space<vmem>>
    %dma_wait3A_639 = arith.constant 2688 : i32
    %dma_wait3A_640 = tpu.memref_slice %arg5[%dma_wait3A_639] : memref<5008xi32, #tpu.memory_space<vmem>> -> memref<128xi32, #tpu.memory_space<vmem>>
    %dma_wait3A_641 = arith.constant 0 : i32
    %dma_wait3A_642 = arith.constant 0 : i32
    %dma_wait3A_643 = tpu.memref_slice %arg2[%dma_wait3A_641, %dma_wait3A_642] : memref<160000x128xf32, #tpu.memory_space<hbm>> -> memref<160000x128xf32, #tpu.memory_space<hbm>>
    tpu.wait_indirect_dma semaphore(%arg10 : memref<!tpu.dma_semaphore, #tpu.memory_space<semaphore_mem>>) src(%dma_wait3A_643 : memref<160000x128xf32, #tpu.memory_space<hbm>>) dst(%dma_wait3A_638 : memref<128x128xf32, #tpu.memory_space<vmem>>)
    %add3A_644 = arith.constant 2560 : i32
    %add3A_645 = arith.addi %mul3A_34, %add3A_644 : i32
    %dma_start3A_646 = arith.constant 0 : i32
    %dma_start3A_647 = arith.constant 0 : i32
    %dma_start3A_648 = tpu.memref_slice %arg7[%dma_start3A_646, %dma_start3A_647] : memref<256x128xf32, #tpu.memory_space<vmem>> -> memref<256x128xf32, #tpu.memory_space<vmem>>
    %dma_start3A_649 = arith.constant 0 : i32
    %dma_start3A_650 = tpu.memref_slice %arg4[%add3A_645, %dma_start3A_649] : memref<160000x128xf32, #tpu.memory_space<hbm>> -> memref<256x128xf32, #tpu.memory_space<hbm>>
    %dma_start3A_651 = arith.constant 0 : i32
    %dma_start3A_652 = tpu.memref_slice %arg4[%add3A_645, %dma_start3A_651] : memref<160000x128xf32, #tpu.memory_space<hbm>> -> memref<256x128xf32, #tpu.memory_space<hbm>>
    %dma_start3A_653 = arith.constant 0 : i32
    %dma_start3A_654 = arith.constant 0 : i32
    %dma_start3A_655 = tpu.memref_slice %arg7[%dma_start3A_653, %dma_start3A_654] : memref<256x128xf32, #tpu.memory_space<vmem>> -> memref<256x128xf32, #tpu.memory_space<vmem>>
    tpu.enqueue_dma source(%dma_start3A_655 : memref<256x128xf32, #tpu.memory_space<vmem>>) target(%dma_start3A_652 : memref<256x128xf32, #tpu.memory_space<hbm>>) target_semaphore(%arg13 : memref<!tpu.dma_semaphore, #tpu.memory_space<semaphore_mem>>)
    %dma_start3A_656 = arith.constant 128 : i32
    %dma_start3A_657 = arith.constant 0 : i32
    %dma_start3A_658 = tpu.memref_slice %arg6[%dma_start3A_656, %dma_start3A_657] : memref<256x128xf32, #tpu.memory_space<vmem>> -> memref<128x128xf32, #tpu.memory_space<vmem>>
    %dma_start3A_659 = arith.constant 3200 : i32
    %dma_start3A_660 = tpu.memref_slice %arg5[%dma_start3A_659] : memref<5008xi32, #tpu.memory_space<vmem>> -> memref<128xi32, #tpu.memory_space<vmem>>
    %dma_start3A_661 = arith.constant 0 : i32
    %dma_start3A_662 = arith.constant 0 : i32
    %dma_start3A_663 = tpu.memref_slice %arg2[%dma_start3A_661, %dma_start3A_662] : memref<160000x128xf32, #tpu.memory_space<hbm>> -> memref<160000x128xf32, #tpu.memory_space<hbm>>
    tpu.enqueue_indirect_dma source(%dma_start3A_663 : memref<160000x128xf32, #tpu.memory_space<hbm>>) target(%dma_start3A_658 : memref<128x128xf32, #tpu.memory_space<vmem>>) offsets(%dma_start3A_660 : memref<128xi32, #tpu.memory_space<vmem>>) semaphore(%arg9 : memref<!tpu.dma_semaphore, #tpu.memory_space<semaphore_mem>>)
    %dma_wait3A_664 = arith.constant 0 : i32
    %dma_wait3A_665 = arith.constant 0 : i32
    %dma_wait3A_666 = tpu.memref_slice %arg8[%dma_wait3A_664, %dma_wait3A_665] : memref<256x128xf32, #tpu.memory_space<vmem>> -> memref<128x128xf32, #tpu.memory_space<vmem>>
    %dma_wait3A_667 = arith.constant 2816 : i32
    %dma_wait3A_668 = tpu.memref_slice %arg5[%dma_wait3A_667] : memref<5008xi32, #tpu.memory_space<vmem>> -> memref<128xi32, #tpu.memory_space<vmem>>
    %dma_wait3A_669 = arith.constant 0 : i32
    %dma_wait3A_670 = arith.constant 0 : i32
    %dma_wait3A_671 = tpu.memref_slice %arg2[%dma_wait3A_669, %dma_wait3A_670] : memref<160000x128xf32, #tpu.memory_space<hbm>> -> memref<160000x128xf32, #tpu.memory_space<hbm>>
    tpu.wait_indirect_dma semaphore(%arg11 : memref<!tpu.dma_semaphore, #tpu.memory_space<semaphore_mem>>) src(%dma_wait3A_671 : memref<160000x128xf32, #tpu.memory_space<hbm>>) dst(%dma_wait3A_666 : memref<128x128xf32, #tpu.memory_space<vmem>>)
    %dma_wait3A_672 = arith.constant 0 : i32
    %dma_wait3A_673 = arith.constant 0 : i32
    %dma_wait3A_674 = tpu.memref_slice %arg7[%dma_wait3A_672, %dma_wait3A_673] : memref<256x128xf32, #tpu.memory_space<vmem>> -> memref<256x128xf32, #tpu.memory_space<vmem>>
    %dma_wait3A_675 = arith.constant 0 : i32
    %dma_wait3A_676 = tpu.memref_slice %arg4[%add3A_645, %dma_wait3A_675] : memref<160000x128xf32, #tpu.memory_space<hbm>> -> memref<256x128xf32, #tpu.memory_space<hbm>>
    %dma_wait3A_677 = arith.constant 0 : i32
    %dma_wait3A_678 = tpu.memref_slice %arg4[%add3A_645, %dma_wait3A_677] : memref<160000x128xf32, #tpu.memory_space<hbm>> -> memref<256x128xf32, #tpu.memory_space<hbm>>
    %dma_wait3A_679 = arith.constant 0 : i32
    %dma_wait3A_680 = arith.constant 0 : i32
    %dma_wait3A_681 = tpu.memref_slice %arg7[%dma_wait3A_679, %dma_wait3A_680] : memref<256x128xf32, #tpu.memory_space<vmem>> -> memref<256x128xf32, #tpu.memory_space<vmem>>
    tpu.wait_dma2 semaphore(%arg13 : memref<!tpu.dma_semaphore, #tpu.memory_space<semaphore_mem>>) src(%dma_wait3A_681 : memref<256x128xf32, #tpu.memory_space<vmem>>) dst(%dma_wait3A_678 : memref<256x128xf32, #tpu.memory_space<hbm>>)
    %dma_start3A_682 = arith.constant 0 : i32
    %dma_start3A_683 = arith.constant 0 : i32
    %dma_start3A_684 = tpu.memref_slice %arg7[%dma_start3A_682, %dma_start3A_683] : memref<256x128xf32, #tpu.memory_space<vmem>> -> memref<128x128xf32, #tpu.memory_space<vmem>>
    %dma_start3A_685 = arith.constant 3328 : i32
    %dma_start3A_686 = tpu.memref_slice %arg5[%dma_start3A_685] : memref<5008xi32, #tpu.memory_space<vmem>> -> memref<128xi32, #tpu.memory_space<vmem>>
    %dma_start3A_687 = arith.constant 0 : i32
    %dma_start3A_688 = arith.constant 0 : i32
    %dma_start3A_689 = tpu.memref_slice %arg2[%dma_start3A_687, %dma_start3A_688] : memref<160000x128xf32, #tpu.memory_space<hbm>> -> memref<160000x128xf32, #tpu.memory_space<hbm>>
    tpu.enqueue_indirect_dma source(%dma_start3A_689 : memref<160000x128xf32, #tpu.memory_space<hbm>>) target(%dma_start3A_684 : memref<128x128xf32, #tpu.memory_space<vmem>>) offsets(%dma_start3A_686 : memref<128xi32, #tpu.memory_space<vmem>>) semaphore(%arg10 : memref<!tpu.dma_semaphore, #tpu.memory_space<semaphore_mem>>)
    %dma_wait3A_690 = arith.constant 128 : i32
    %dma_wait3A_691 = arith.constant 0 : i32
    %dma_wait3A_692 = tpu.memref_slice %arg8[%dma_wait3A_690, %dma_wait3A_691] : memref<256x128xf32, #tpu.memory_space<vmem>> -> memref<128x128xf32, #tpu.memory_space<vmem>>
    %dma_wait3A_693 = arith.constant 2944 : i32
    %dma_wait3A_694 = tpu.memref_slice %arg5[%dma_wait3A_693] : memref<5008xi32, #tpu.memory_space<vmem>> -> memref<128xi32, #tpu.memory_space<vmem>>
    %dma_wait3A_695 = arith.constant 0 : i32
    %dma_wait3A_696 = arith.constant 0 : i32
    %dma_wait3A_697 = tpu.memref_slice %arg2[%dma_wait3A_695, %dma_wait3A_696] : memref<160000x128xf32, #tpu.memory_space<hbm>> -> memref<160000x128xf32, #tpu.memory_space<hbm>>
    tpu.wait_indirect_dma semaphore(%arg11 : memref<!tpu.dma_semaphore, #tpu.memory_space<semaphore_mem>>) src(%dma_wait3A_697 : memref<160000x128xf32, #tpu.memory_space<hbm>>) dst(%dma_wait3A_692 : memref<128x128xf32, #tpu.memory_space<vmem>>)
    %add3A_698 = arith.constant 2816 : i32
    %add3A_699 = arith.addi %mul3A_34, %add3A_698 : i32
    %dma_start3A_700 = arith.constant 0 : i32
    %dma_start3A_701 = arith.constant 0 : i32
    %dma_start3A_702 = tpu.memref_slice %arg8[%dma_start3A_700, %dma_start3A_701] : memref<256x128xf32, #tpu.memory_space<vmem>> -> memref<256x128xf32, #tpu.memory_space<vmem>>
    %dma_start3A_703 = arith.constant 0 : i32
    %dma_start3A_704 = tpu.memref_slice %arg4[%add3A_699, %dma_start3A_703] : memref<160000x128xf32, #tpu.memory_space<hbm>> -> memref<256x128xf32, #tpu.memory_space<hbm>>
    %dma_start3A_705 = arith.constant 0 : i32
    %dma_start3A_706 = tpu.memref_slice %arg4[%add3A_699, %dma_start3A_705] : memref<160000x128xf32, #tpu.memory_space<hbm>> -> memref<256x128xf32, #tpu.memory_space<hbm>>
    %dma_start3A_707 = arith.constant 0 : i32
    %dma_start3A_708 = arith.constant 0 : i32
    %dma_start3A_709 = tpu.memref_slice %arg8[%dma_start3A_707, %dma_start3A_708] : memref<256x128xf32, #tpu.memory_space<vmem>> -> memref<256x128xf32, #tpu.memory_space<vmem>>
    tpu.enqueue_dma source(%dma_start3A_709 : memref<256x128xf32, #tpu.memory_space<vmem>>) target(%dma_start3A_706 : memref<256x128xf32, #tpu.memory_space<hbm>>) target_semaphore(%arg14 : memref<!tpu.dma_semaphore, #tpu.memory_space<semaphore_mem>>)
    %dma_start3A_710 = arith.constant 128 : i32
    %dma_start3A_711 = arith.constant 0 : i32
    %dma_start3A_712 = tpu.memref_slice %arg7[%dma_start3A_710, %dma_start3A_711] : memref<256x128xf32, #tpu.memory_space<vmem>> -> memref<128x128xf32, #tpu.memory_space<vmem>>
    %dma_start3A_713 = arith.constant 3456 : i32
    %dma_start3A_714 = tpu.memref_slice %arg5[%dma_start3A_713] : memref<5008xi32, #tpu.memory_space<vmem>> -> memref<128xi32, #tpu.memory_space<vmem>>
    %dma_start3A_715 = arith.constant 0 : i32
    %dma_start3A_716 = arith.constant 0 : i32
    %dma_start3A_717 = tpu.memref_slice %arg2[%dma_start3A_715, %dma_start3A_716] : memref<160000x128xf32, #tpu.memory_space<hbm>> -> memref<160000x128xf32, #tpu.memory_space<hbm>>
    tpu.enqueue_indirect_dma source(%dma_start3A_717 : memref<160000x128xf32, #tpu.memory_space<hbm>>) target(%dma_start3A_712 : memref<128x128xf32, #tpu.memory_space<vmem>>) offsets(%dma_start3A_714 : memref<128xi32, #tpu.memory_space<vmem>>) semaphore(%arg10 : memref<!tpu.dma_semaphore, #tpu.memory_space<semaphore_mem>>)
    %dma_wait3A_718 = arith.constant 0 : i32
    %dma_wait3A_719 = arith.constant 0 : i32
    %dma_wait3A_720 = tpu.memref_slice %arg6[%dma_wait3A_718, %dma_wait3A_719] : memref<256x128xf32, #tpu.memory_space<vmem>> -> memref<128x128xf32, #tpu.memory_space<vmem>>
    %dma_wait3A_721 = arith.constant 3072 : i32
    %dma_wait3A_722 = tpu.memref_slice %arg5[%dma_wait3A_721] : memref<5008xi32, #tpu.memory_space<vmem>> -> memref<128xi32, #tpu.memory_space<vmem>>
    %dma_wait3A_723 = arith.constant 0 : i32
    %dma_wait3A_724 = arith.constant 0 : i32
    %dma_wait3A_725 = tpu.memref_slice %arg2[%dma_wait3A_723, %dma_wait3A_724] : memref<160000x128xf32, #tpu.memory_space<hbm>> -> memref<160000x128xf32, #tpu.memory_space<hbm>>
    tpu.wait_indirect_dma semaphore(%arg9 : memref<!tpu.dma_semaphore, #tpu.memory_space<semaphore_mem>>) src(%dma_wait3A_725 : memref<160000x128xf32, #tpu.memory_space<hbm>>) dst(%dma_wait3A_720 : memref<128x128xf32, #tpu.memory_space<vmem>>)
    %dma_wait3A_726 = arith.constant 0 : i32
    %dma_wait3A_727 = arith.constant 0 : i32
    %dma_wait3A_728 = tpu.memref_slice %arg8[%dma_wait3A_726, %dma_wait3A_727] : memref<256x128xf32, #tpu.memory_space<vmem>> -> memref<256x128xf32, #tpu.memory_space<vmem>>
    %dma_wait3A_729 = arith.constant 0 : i32
    %dma_wait3A_730 = tpu.memref_slice %arg4[%add3A_699, %dma_wait3A_729] : memref<160000x128xf32, #tpu.memory_space<hbm>> -> memref<256x128xf32, #tpu.memory_space<hbm>>
    %dma_wait3A_731 = arith.constant 0 : i32
    %dma_wait3A_732 = tpu.memref_slice %arg4[%add3A_699, %dma_wait3A_731] : memref<160000x128xf32, #tpu.memory_space<hbm>> -> memref<256x128xf32, #tpu.memory_space<hbm>>
    %dma_wait3A_733 = arith.constant 0 : i32
    %dma_wait3A_734 = arith.constant 0 : i32
    %dma_wait3A_735 = tpu.memref_slice %arg8[%dma_wait3A_733, %dma_wait3A_734] : memref<256x128xf32, #tpu.memory_space<vmem>> -> memref<256x128xf32, #tpu.memory_space<vmem>>
    tpu.wait_dma2 semaphore(%arg14 : memref<!tpu.dma_semaphore, #tpu.memory_space<semaphore_mem>>) src(%dma_wait3A_735 : memref<256x128xf32, #tpu.memory_space<vmem>>) dst(%dma_wait3A_732 : memref<256x128xf32, #tpu.memory_space<hbm>>)
    %dma_start3A_736 = arith.constant 0 : i32
    %dma_start3A_737 = arith.constant 0 : i32
    %dma_start3A_738 = tpu.memref_slice %arg8[%dma_start3A_736, %dma_start3A_737] : memref<256x128xf32, #tpu.memory_space<vmem>> -> memref<128x128xf32, #tpu.memory_space<vmem>>
    %dma_start3A_739 = arith.constant 3584 : i32
    %dma_start3A_740 = tpu.memref_slice %arg5[%dma_start3A_739] : memref<5008xi32, #tpu.memory_space<vmem>> -> memref<128xi32, #tpu.memory_space<vmem>>
    %dma_start3A_741 = arith.constant 0 : i32
    %dma_start3A_742 = arith.constant 0 : i32
    %dma_start3A_743 = tpu.memref_slice %arg2[%dma_start3A_741, %dma_start3A_742] : memref<160000x128xf32, #tpu.memory_space<hbm>> -> memref<160000x128xf32, #tpu.memory_space<hbm>>
    tpu.enqueue_indirect_dma source(%dma_start3A_743 : memref<160000x128xf32, #tpu.memory_space<hbm>>) target(%dma_start3A_738 : memref<128x128xf32, #tpu.memory_space<vmem>>) offsets(%dma_start3A_740 : memref<128xi32, #tpu.memory_space<vmem>>) semaphore(%arg11 : memref<!tpu.dma_semaphore, #tpu.memory_space<semaphore_mem>>)
    %dma_wait3A_744 = arith.constant 128 : i32
    %dma_wait3A_745 = arith.constant 0 : i32
    %dma_wait3A_746 = tpu.memref_slice %arg6[%dma_wait3A_744, %dma_wait3A_745] : memref<256x128xf32, #tpu.memory_space<vmem>> -> memref<128x128xf32, #tpu.memory_space<vmem>>
    %dma_wait3A_747 = arith.constant 3200 : i32
    %dma_wait3A_748 = tpu.memref_slice %arg5[%dma_wait3A_747] : memref<5008xi32, #tpu.memory_space<vmem>> -> memref<128xi32, #tpu.memory_space<vmem>>
    %dma_wait3A_749 = arith.constant 0 : i32
    %dma_wait3A_750 = arith.constant 0 : i32
    %dma_wait3A_751 = tpu.memref_slice %arg2[%dma_wait3A_749, %dma_wait3A_750] : memref<160000x128xf32, #tpu.memory_space<hbm>> -> memref<160000x128xf32, #tpu.memory_space<hbm>>
    tpu.wait_indirect_dma semaphore(%arg9 : memref<!tpu.dma_semaphore, #tpu.memory_space<semaphore_mem>>) src(%dma_wait3A_751 : memref<160000x128xf32, #tpu.memory_space<hbm>>) dst(%dma_wait3A_746 : memref<128x128xf32, #tpu.memory_space<vmem>>)
    %add3A_752 = arith.constant 3072 : i32
    %add3A_753 = arith.addi %mul3A_34, %add3A_752 : i32
    %dma_start3A_754 = arith.constant 0 : i32
    %dma_start3A_755 = arith.constant 0 : i32
    %dma_start3A_756 = tpu.memref_slice %arg6[%dma_start3A_754, %dma_start3A_755] : memref<256x128xf32, #tpu.memory_space<vmem>> -> memref<256x128xf32, #tpu.memory_space<vmem>>
    %dma_start3A_757 = arith.constant 0 : i32
    %dma_start3A_758 = tpu.memref_slice %arg4[%add3A_753, %dma_start3A_757] : memref<160000x128xf32, #tpu.memory_space<hbm>> -> memref<256x128xf32, #tpu.memory_space<hbm>>
    %dma_start3A_759 = arith.constant 0 : i32
    %dma_start3A_760 = tpu.memref_slice %arg4[%add3A_753, %dma_start3A_759] : memref<160000x128xf32, #tpu.memory_space<hbm>> -> memref<256x128xf32, #tpu.memory_space<hbm>>
    %dma_start3A_761 = arith.constant 0 : i32
    %dma_start3A_762 = arith.constant 0 : i32
    %dma_start3A_763 = tpu.memref_slice %arg6[%dma_start3A_761, %dma_start3A_762] : memref<256x128xf32, #tpu.memory_space<vmem>> -> memref<256x128xf32, #tpu.memory_space<vmem>>
    tpu.enqueue_dma source(%dma_start3A_763 : memref<256x128xf32, #tpu.memory_space<vmem>>) target(%dma_start3A_760 : memref<256x128xf32, #tpu.memory_space<hbm>>) target_semaphore(%arg12 : memref<!tpu.dma_semaphore, #tpu.memory_space<semaphore_mem>>)
    %dma_start3A_764 = arith.constant 128 : i32
    %dma_start3A_765 = arith.constant 0 : i32
    %dma_start3A_766 = tpu.memref_slice %arg8[%dma_start3A_764, %dma_start3A_765] : memref<256x128xf32, #tpu.memory_space<vmem>> -> memref<128x128xf32, #tpu.memory_space<vmem>>
    %dma_start3A_767 = arith.constant 3712 : i32
    %dma_start3A_768 = tpu.memref_slice %arg5[%dma_start3A_767] : memref<5008xi32, #tpu.memory_space<vmem>> -> memref<128xi32, #tpu.memory_space<vmem>>
    %dma_start3A_769 = arith.constant 0 : i32
    %dma_start3A_770 = arith.constant 0 : i32
    %dma_start3A_771 = tpu.memref_slice %arg2[%dma_start3A_769, %dma_start3A_770] : memref<160000x128xf32, #tpu.memory_space<hbm>> -> memref<160000x128xf32, #tpu.memory_space<hbm>>
    tpu.enqueue_indirect_dma source(%dma_start3A_771 : memref<160000x128xf32, #tpu.memory_space<hbm>>) target(%dma_start3A_766 : memref<128x128xf32, #tpu.memory_space<vmem>>) offsets(%dma_start3A_768 : memref<128xi32, #tpu.memory_space<vmem>>) semaphore(%arg11 : memref<!tpu.dma_semaphore, #tpu.memory_space<semaphore_mem>>)
    %dma_wait3A_772 = arith.constant 0 : i32
    %dma_wait3A_773 = arith.constant 0 : i32
    %dma_wait3A_774 = tpu.memref_slice %arg7[%dma_wait3A_772, %dma_wait3A_773] : memref<256x128xf32, #tpu.memory_space<vmem>> -> memref<128x128xf32, #tpu.memory_space<vmem>>
    %dma_wait3A_775 = arith.constant 3328 : i32
    %dma_wait3A_776 = tpu.memref_slice %arg5[%dma_wait3A_775] : memref<5008xi32, #tpu.memory_space<vmem>> -> memref<128xi32, #tpu.memory_space<vmem>>
    %dma_wait3A_777 = arith.constant 0 : i32
    %dma_wait3A_778 = arith.constant 0 : i32
    %dma_wait3A_779 = tpu.memref_slice %arg2[%dma_wait3A_777, %dma_wait3A_778] : memref<160000x128xf32, #tpu.memory_space<hbm>> -> memref<160000x128xf32, #tpu.memory_space<hbm>>
    tpu.wait_indirect_dma semaphore(%arg10 : memref<!tpu.dma_semaphore, #tpu.memory_space<semaphore_mem>>) src(%dma_wait3A_779 : memref<160000x128xf32, #tpu.memory_space<hbm>>) dst(%dma_wait3A_774 : memref<128x128xf32, #tpu.memory_space<vmem>>)
    %dma_wait3A_780 = arith.constant 0 : i32
    %dma_wait3A_781 = arith.constant 0 : i32
    %dma_wait3A_782 = tpu.memref_slice %arg6[%dma_wait3A_780, %dma_wait3A_781] : memref<256x128xf32, #tpu.memory_space<vmem>> -> memref<256x128xf32, #tpu.memory_space<vmem>>
    %dma_wait3A_783 = arith.constant 0 : i32
    %dma_wait3A_784 = tpu.memref_slice %arg4[%add3A_753, %dma_wait3A_783] : memref<160000x128xf32, #tpu.memory_space<hbm>> -> memref<256x128xf32, #tpu.memory_space<hbm>>
    %dma_wait3A_785 = arith.constant 0 : i32
    %dma_wait3A_786 = tpu.memref_slice %arg4[%add3A_753, %dma_wait3A_785] : memref<160000x128xf32, #tpu.memory_space<hbm>> -> memref<256x128xf32, #tpu.memory_space<hbm>>
    %dma_wait3A_787 = arith.constant 0 : i32
    %dma_wait3A_788 = arith.constant 0 : i32
    %dma_wait3A_789 = tpu.memref_slice %arg6[%dma_wait3A_787, %dma_wait3A_788] : memref<256x128xf32, #tpu.memory_space<vmem>> -> memref<256x128xf32, #tpu.memory_space<vmem>>
    tpu.wait_dma2 semaphore(%arg12 : memref<!tpu.dma_semaphore, #tpu.memory_space<semaphore_mem>>) src(%dma_wait3A_789 : memref<256x128xf32, #tpu.memory_space<vmem>>) dst(%dma_wait3A_786 : memref<256x128xf32, #tpu.memory_space<hbm>>)
    %dma_start3A_790 = arith.constant 0 : i32
    %dma_start3A_791 = arith.constant 0 : i32
    %dma_start3A_792 = tpu.memref_slice %arg6[%dma_start3A_790, %dma_start3A_791] : memref<256x128xf32, #tpu.memory_space<vmem>> -> memref<128x128xf32, #tpu.memory_space<vmem>>
    %dma_start3A_793 = arith.constant 3840 : i32
    %dma_start3A_794 = tpu.memref_slice %arg5[%dma_start3A_793] : memref<5008xi32, #tpu.memory_space<vmem>> -> memref<128xi32, #tpu.memory_space<vmem>>
    %dma_start3A_795 = arith.constant 0 : i32
    %dma_start3A_796 = arith.constant 0 : i32
    %dma_start3A_797 = tpu.memref_slice %arg2[%dma_start3A_795, %dma_start3A_796] : memref<160000x128xf32, #tpu.memory_space<hbm>> -> memref<160000x128xf32, #tpu.memory_space<hbm>>
    tpu.enqueue_indirect_dma source(%dma_start3A_797 : memref<160000x128xf32, #tpu.memory_space<hbm>>) target(%dma_start3A_792 : memref<128x128xf32, #tpu.memory_space<vmem>>) offsets(%dma_start3A_794 : memref<128xi32, #tpu.memory_space<vmem>>) semaphore(%arg9 : memref<!tpu.dma_semaphore, #tpu.memory_space<semaphore_mem>>)
    %dma_wait3A_798 = arith.constant 128 : i32
    %dma_wait3A_799 = arith.constant 0 : i32
    %dma_wait3A_800 = tpu.memref_slice %arg7[%dma_wait3A_798, %dma_wait3A_799] : memref<256x128xf32, #tpu.memory_space<vmem>> -> memref<128x128xf32, #tpu.memory_space<vmem>>
    %dma_wait3A_801 = arith.constant 3456 : i32
    %dma_wait3A_802 = tpu.memref_slice %arg5[%dma_wait3A_801] : memref<5008xi32, #tpu.memory_space<vmem>> -> memref<128xi32, #tpu.memory_space<vmem>>
    %dma_wait3A_803 = arith.constant 0 : i32
    %dma_wait3A_804 = arith.constant 0 : i32
    %dma_wait3A_805 = tpu.memref_slice %arg2[%dma_wait3A_803, %dma_wait3A_804] : memref<160000x128xf32, #tpu.memory_space<hbm>> -> memref<160000x128xf32, #tpu.memory_space<hbm>>
    tpu.wait_indirect_dma semaphore(%arg10 : memref<!tpu.dma_semaphore, #tpu.memory_space<semaphore_mem>>) src(%dma_wait3A_805 : memref<160000x128xf32, #tpu.memory_space<hbm>>) dst(%dma_wait3A_800 : memref<128x128xf32, #tpu.memory_space<vmem>>)
    %add3A_806 = arith.constant 3328 : i32
    %add3A_807 = arith.addi %mul3A_34, %add3A_806 : i32
    %dma_start3A_808 = arith.constant 0 : i32
    %dma_start3A_809 = arith.constant 0 : i32
    %dma_start3A_810 = tpu.memref_slice %arg7[%dma_start3A_808, %dma_start3A_809] : memref<256x128xf32, #tpu.memory_space<vmem>> -> memref<256x128xf32, #tpu.memory_space<vmem>>
    %dma_start3A_811 = arith.constant 0 : i32
    %dma_start3A_812 = tpu.memref_slice %arg4[%add3A_807, %dma_start3A_811] : memref<160000x128xf32, #tpu.memory_space<hbm>> -> memref<256x128xf32, #tpu.memory_space<hbm>>
    %dma_start3A_813 = arith.constant 0 : i32
    %dma_start3A_814 = tpu.memref_slice %arg4[%add3A_807, %dma_start3A_813] : memref<160000x128xf32, #tpu.memory_space<hbm>> -> memref<256x128xf32, #tpu.memory_space<hbm>>
    %dma_start3A_815 = arith.constant 0 : i32
    %dma_start3A_816 = arith.constant 0 : i32
    %dma_start3A_817 = tpu.memref_slice %arg7[%dma_start3A_815, %dma_start3A_816] : memref<256x128xf32, #tpu.memory_space<vmem>> -> memref<256x128xf32, #tpu.memory_space<vmem>>
    tpu.enqueue_dma source(%dma_start3A_817 : memref<256x128xf32, #tpu.memory_space<vmem>>) target(%dma_start3A_814 : memref<256x128xf32, #tpu.memory_space<hbm>>) target_semaphore(%arg13 : memref<!tpu.dma_semaphore, #tpu.memory_space<semaphore_mem>>)
    %dma_start3A_818 = arith.constant 128 : i32
    %dma_start3A_819 = arith.constant 0 : i32
    %dma_start3A_820 = tpu.memref_slice %arg6[%dma_start3A_818, %dma_start3A_819] : memref<256x128xf32, #tpu.memory_space<vmem>> -> memref<128x128xf32, #tpu.memory_space<vmem>>
    %dma_start3A_821 = arith.constant 3968 : i32
    %dma_start3A_822 = tpu.memref_slice %arg5[%dma_start3A_821] : memref<5008xi32, #tpu.memory_space<vmem>> -> memref<128xi32, #tpu.memory_space<vmem>>
    %dma_start3A_823 = arith.constant 0 : i32
    %dma_start3A_824 = arith.constant 0 : i32
    %dma_start3A_825 = tpu.memref_slice %arg2[%dma_start3A_823, %dma_start3A_824] : memref<160000x128xf32, #tpu.memory_space<hbm>> -> memref<160000x128xf32, #tpu.memory_space<hbm>>
    tpu.enqueue_indirect_dma source(%dma_start3A_825 : memref<160000x128xf32, #tpu.memory_space<hbm>>) target(%dma_start3A_820 : memref<128x128xf32, #tpu.memory_space<vmem>>) offsets(%dma_start3A_822 : memref<128xi32, #tpu.memory_space<vmem>>) semaphore(%arg9 : memref<!tpu.dma_semaphore, #tpu.memory_space<semaphore_mem>>)
    %dma_wait3A_826 = arith.constant 0 : i32
    %dma_wait3A_827 = arith.constant 0 : i32
    %dma_wait3A_828 = tpu.memref_slice %arg8[%dma_wait3A_826, %dma_wait3A_827] : memref<256x128xf32, #tpu.memory_space<vmem>> -> memref<128x128xf32, #tpu.memory_space<vmem>>
    %dma_wait3A_829 = arith.constant 3584 : i32
    %dma_wait3A_830 = tpu.memref_slice %arg5[%dma_wait3A_829] : memref<5008xi32, #tpu.memory_space<vmem>> -> memref<128xi32, #tpu.memory_space<vmem>>
    %dma_wait3A_831 = arith.constant 0 : i32
    %dma_wait3A_832 = arith.constant 0 : i32
    %dma_wait3A_833 = tpu.memref_slice %arg2[%dma_wait3A_831, %dma_wait3A_832] : memref<160000x128xf32, #tpu.memory_space<hbm>> -> memref<160000x128xf32, #tpu.memory_space<hbm>>
    tpu.wait_indirect_dma semaphore(%arg11 : memref<!tpu.dma_semaphore, #tpu.memory_space<semaphore_mem>>) src(%dma_wait3A_833 : memref<160000x128xf32, #tpu.memory_space<hbm>>) dst(%dma_wait3A_828 : memref<128x128xf32, #tpu.memory_space<vmem>>)
    %dma_wait3A_834 = arith.constant 0 : i32
    %dma_wait3A_835 = arith.constant 0 : i32
    %dma_wait3A_836 = tpu.memref_slice %arg7[%dma_wait3A_834, %dma_wait3A_835] : memref<256x128xf32, #tpu.memory_space<vmem>> -> memref<256x128xf32, #tpu.memory_space<vmem>>
    %dma_wait3A_837 = arith.constant 0 : i32
    %dma_wait3A_838 = tpu.memref_slice %arg4[%add3A_807, %dma_wait3A_837] : memref<160000x128xf32, #tpu.memory_space<hbm>> -> memref<256x128xf32, #tpu.memory_space<hbm>>
    %dma_wait3A_839 = arith.constant 0 : i32
    %dma_wait3A_840 = tpu.memref_slice %arg4[%add3A_807, %dma_wait3A_839] : memref<160000x128xf32, #tpu.memory_space<hbm>> -> memref<256x128xf32, #tpu.memory_space<hbm>>
    %dma_wait3A_841 = arith.constant 0 : i32
    %dma_wait3A_842 = arith.constant 0 : i32
    %dma_wait3A_843 = tpu.memref_slice %arg7[%dma_wait3A_841, %dma_wait3A_842] : memref<256x128xf32, #tpu.memory_space<vmem>> -> memref<256x128xf32, #tpu.memory_space<vmem>>
    tpu.wait_dma2 semaphore(%arg13 : memref<!tpu.dma_semaphore, #tpu.memory_space<semaphore_mem>>) src(%dma_wait3A_843 : memref<256x128xf32, #tpu.memory_space<vmem>>) dst(%dma_wait3A_840 : memref<256x128xf32, #tpu.memory_space<hbm>>)
    %dma_start3A_844 = arith.constant 0 : i32
    %dma_start3A_845 = arith.constant 0 : i32
    %dma_start3A_846 = tpu.memref_slice %arg7[%dma_start3A_844, %dma_start3A_845] : memref<256x128xf32, #tpu.memory_space<vmem>> -> memref<128x128xf32, #tpu.memory_space<vmem>>
    %dma_start3A_847 = arith.constant 4096 : i32
    %dma_start3A_848 = tpu.memref_slice %arg5[%dma_start3A_847] : memref<5008xi32, #tpu.memory_space<vmem>> -> memref<128xi32, #tpu.memory_space<vmem>>
    %dma_start3A_849 = arith.constant 0 : i32
    %dma_start3A_850 = arith.constant 0 : i32
    %dma_start3A_851 = tpu.memref_slice %arg2[%dma_start3A_849, %dma_start3A_850] : memref<160000x128xf32, #tpu.memory_space<hbm>> -> memref<160000x128xf32, #tpu.memory_space<hbm>>
    tpu.enqueue_indirect_dma source(%dma_start3A_851 : memref<160000x128xf32, #tpu.memory_space<hbm>>) target(%dma_start3A_846 : memref<128x128xf32, #tpu.memory_space<vmem>>) offsets(%dma_start3A_848 : memref<128xi32, #tpu.memory_space<vmem>>) semaphore(%arg10 : memref<!tpu.dma_semaphore, #tpu.memory_space<semaphore_mem>>)
    %dma_wait3A_852 = arith.constant 128 : i32
    %dma_wait3A_853 = arith.constant 0 : i32
    %dma_wait3A_854 = tpu.memref_slice %arg8[%dma_wait3A_852, %dma_wait3A_853] : memref<256x128xf32, #tpu.memory_space<vmem>> -> memref<128x128xf32, #tpu.memory_space<vmem>>
    %dma_wait3A_855 = arith.constant 3712 : i32
    %dma_wait3A_856 = tpu.memref_slice %arg5[%dma_wait3A_855] : memref<5008xi32, #tpu.memory_space<vmem>> -> memref<128xi32, #tpu.memory_space<vmem>>
    %dma_wait3A_857 = arith.constant 0 : i32
    %dma_wait3A_858 = arith.constant 0 : i32
    %dma_wait3A_859 = tpu.memref_slice %arg2[%dma_wait3A_857, %dma_wait3A_858] : memref<160000x128xf32, #tpu.memory_space<hbm>> -> memref<160000x128xf32, #tpu.memory_space<hbm>>
    tpu.wait_indirect_dma semaphore(%arg11 : memref<!tpu.dma_semaphore, #tpu.memory_space<semaphore_mem>>) src(%dma_wait3A_859 : memref<160000x128xf32, #tpu.memory_space<hbm>>) dst(%dma_wait3A_854 : memref<128x128xf32, #tpu.memory_space<vmem>>)
    %add3A_860 = arith.constant 3584 : i32
    %add3A_861 = arith.addi %mul3A_34, %add3A_860 : i32
    %dma_start3A_862 = arith.constant 0 : i32
    %dma_start3A_863 = arith.constant 0 : i32
    %dma_start3A_864 = tpu.memref_slice %arg8[%dma_start3A_862, %dma_start3A_863] : memref<256x128xf32, #tpu.memory_space<vmem>> -> memref<256x128xf32, #tpu.memory_space<vmem>>
    %dma_start3A_865 = arith.constant 0 : i32
    %dma_start3A_866 = tpu.memref_slice %arg4[%add3A_861, %dma_start3A_865] : memref<160000x128xf32, #tpu.memory_space<hbm>> -> memref<256x128xf32, #tpu.memory_space<hbm>>
    %dma_start3A_867 = arith.constant 0 : i32
    %dma_start3A_868 = tpu.memref_slice %arg4[%add3A_861, %dma_start3A_867] : memref<160000x128xf32, #tpu.memory_space<hbm>> -> memref<256x128xf32, #tpu.memory_space<hbm>>
    %dma_start3A_869 = arith.constant 0 : i32
    %dma_start3A_870 = arith.constant 0 : i32
    %dma_start3A_871 = tpu.memref_slice %arg8[%dma_start3A_869, %dma_start3A_870] : memref<256x128xf32, #tpu.memory_space<vmem>> -> memref<256x128xf32, #tpu.memory_space<vmem>>
    tpu.enqueue_dma source(%dma_start3A_871 : memref<256x128xf32, #tpu.memory_space<vmem>>) target(%dma_start3A_868 : memref<256x128xf32, #tpu.memory_space<hbm>>) target_semaphore(%arg14 : memref<!tpu.dma_semaphore, #tpu.memory_space<semaphore_mem>>)
    %dma_start3A_872 = arith.constant 128 : i32
    %dma_start3A_873 = arith.constant 0 : i32
    %dma_start3A_874 = tpu.memref_slice %arg7[%dma_start3A_872, %dma_start3A_873] : memref<256x128xf32, #tpu.memory_space<vmem>> -> memref<128x128xf32, #tpu.memory_space<vmem>>
    %dma_start3A_875 = arith.constant 4224 : i32
    %dma_start3A_876 = tpu.memref_slice %arg5[%dma_start3A_875] : memref<5008xi32, #tpu.memory_space<vmem>> -> memref<128xi32, #tpu.memory_space<vmem>>
    %dma_start3A_877 = arith.constant 0 : i32
    %dma_start3A_878 = arith.constant 0 : i32
    %dma_start3A_879 = tpu.memref_slice %arg2[%dma_start3A_877, %dma_start3A_878] : memref<160000x128xf32, #tpu.memory_space<hbm>> -> memref<160000x128xf32, #tpu.memory_space<hbm>>
    tpu.enqueue_indirect_dma source(%dma_start3A_879 : memref<160000x128xf32, #tpu.memory_space<hbm>>) target(%dma_start3A_874 : memref<128x128xf32, #tpu.memory_space<vmem>>) offsets(%dma_start3A_876 : memref<128xi32, #tpu.memory_space<vmem>>) semaphore(%arg10 : memref<!tpu.dma_semaphore, #tpu.memory_space<semaphore_mem>>)
    %dma_wait3A_880 = arith.constant 0 : i32
    %dma_wait3A_881 = arith.constant 0 : i32
    %dma_wait3A_882 = tpu.memref_slice %arg6[%dma_wait3A_880, %dma_wait3A_881] : memref<256x128xf32, #tpu.memory_space<vmem>> -> memref<128x128xf32, #tpu.memory_space<vmem>>
    %dma_wait3A_883 = arith.constant 3840 : i32
    %dma_wait3A_884 = tpu.memref_slice %arg5[%dma_wait3A_883] : memref<5008xi32, #tpu.memory_space<vmem>> -> memref<128xi32, #tpu.memory_space<vmem>>
    %dma_wait3A_885 = arith.constant 0 : i32
    %dma_wait3A_886 = arith.constant 0 : i32
    %dma_wait3A_887 = tpu.memref_slice %arg2[%dma_wait3A_885, %dma_wait3A_886] : memref<160000x128xf32, #tpu.memory_space<hbm>> -> memref<160000x128xf32, #tpu.memory_space<hbm>>
    tpu.wait_indirect_dma semaphore(%arg9 : memref<!tpu.dma_semaphore, #tpu.memory_space<semaphore_mem>>) src(%dma_wait3A_887 : memref<160000x128xf32, #tpu.memory_space<hbm>>) dst(%dma_wait3A_882 : memref<128x128xf32, #tpu.memory_space<vmem>>)
    %dma_wait3A_888 = arith.constant 0 : i32
    %dma_wait3A_889 = arith.constant 0 : i32
    %dma_wait3A_890 = tpu.memref_slice %arg8[%dma_wait3A_888, %dma_wait3A_889] : memref<256x128xf32, #tpu.memory_space<vmem>> -> memref<256x128xf32, #tpu.memory_space<vmem>>
    %dma_wait3A_891 = arith.constant 0 : i32
    %dma_wait3A_892 = tpu.memref_slice %arg4[%add3A_861, %dma_wait3A_891] : memref<160000x128xf32, #tpu.memory_space<hbm>> -> memref<256x128xf32, #tpu.memory_space<hbm>>
    %dma_wait3A_893 = arith.constant 0 : i32
    %dma_wait3A_894 = tpu.memref_slice %arg4[%add3A_861, %dma_wait3A_893] : memref<160000x128xf32, #tpu.memory_space<hbm>> -> memref<256x128xf32, #tpu.memory_space<hbm>>
    %dma_wait3A_895 = arith.constant 0 : i32
    %dma_wait3A_896 = arith.constant 0 : i32
    %dma_wait3A_897 = tpu.memref_slice %arg8[%dma_wait3A_895, %dma_wait3A_896] : memref<256x128xf32, #tpu.memory_space<vmem>> -> memref<256x128xf32, #tpu.memory_space<vmem>>
    tpu.wait_dma2 semaphore(%arg14 : memref<!tpu.dma_semaphore, #tpu.memory_space<semaphore_mem>>) src(%dma_wait3A_897 : memref<256x128xf32, #tpu.memory_space<vmem>>) dst(%dma_wait3A_894 : memref<256x128xf32, #tpu.memory_space<hbm>>)
    %dma_start3A_898 = arith.constant 0 : i32
    %dma_start3A_899 = arith.constant 0 : i32
    %dma_start3A_900 = tpu.memref_slice %arg8[%dma_start3A_898, %dma_start3A_899] : memref<256x128xf32, #tpu.memory_space<vmem>> -> memref<128x128xf32, #tpu.memory_space<vmem>>
    %dma_start3A_901 = arith.constant 4352 : i32
    %dma_start3A_902 = tpu.memref_slice %arg5[%dma_start3A_901] : memref<5008xi32, #tpu.memory_space<vmem>> -> memref<128xi32, #tpu.memory_space<vmem>>
    %dma_start3A_903 = arith.constant 0 : i32
    %dma_start3A_904 = arith.constant 0 : i32
    %dma_start3A_905 = tpu.memref_slice %arg2[%dma_start3A_903, %dma_start3A_904] : memref<160000x128xf32, #tpu.memory_space<hbm>> -> memref<160000x128xf32, #tpu.memory_space<hbm>>
    tpu.enqueue_indirect_dma source(%dma_start3A_905 : memref<160000x128xf32, #tpu.memory_space<hbm>>) target(%dma_start3A_900 : memref<128x128xf32, #tpu.memory_space<vmem>>) offsets(%dma_start3A_902 : memref<128xi32, #tpu.memory_space<vmem>>) semaphore(%arg11 : memref<!tpu.dma_semaphore, #tpu.memory_space<semaphore_mem>>)
    %dma_wait3A_906 = arith.constant 128 : i32
    %dma_wait3A_907 = arith.constant 0 : i32
    %dma_wait3A_908 = tpu.memref_slice %arg6[%dma_wait3A_906, %dma_wait3A_907] : memref<256x128xf32, #tpu.memory_space<vmem>> -> memref<128x128xf32, #tpu.memory_space<vmem>>
    %dma_wait3A_909 = arith.constant 3968 : i32
    %dma_wait3A_910 = tpu.memref_slice %arg5[%dma_wait3A_909] : memref<5008xi32, #tpu.memory_space<vmem>> -> memref<128xi32, #tpu.memory_space<vmem>>
    %dma_wait3A_911 = arith.constant 0 : i32
    %dma_wait3A_912 = arith.constant 0 : i32
    %dma_wait3A_913 = tpu.memref_slice %arg2[%dma_wait3A_911, %dma_wait3A_912] : memref<160000x128xf32, #tpu.memory_space<hbm>> -> memref<160000x128xf32, #tpu.memory_space<hbm>>
    tpu.wait_indirect_dma semaphore(%arg9 : memref<!tpu.dma_semaphore, #tpu.memory_space<semaphore_mem>>) src(%dma_wait3A_913 : memref<160000x128xf32, #tpu.memory_space<hbm>>) dst(%dma_wait3A_908 : memref<128x128xf32, #tpu.memory_space<vmem>>)
    %add3A_914 = arith.constant 3840 : i32
    %add3A_915 = arith.addi %mul3A_34, %add3A_914 : i32
    %dma_start3A_916 = arith.constant 0 : i32
    %dma_start3A_917 = arith.constant 0 : i32
    %dma_start3A_918 = tpu.memref_slice %arg6[%dma_start3A_916, %dma_start3A_917] : memref<256x128xf32, #tpu.memory_space<vmem>> -> memref<256x128xf32, #tpu.memory_space<vmem>>
    %dma_start3A_919 = arith.constant 0 : i32
    %dma_start3A_920 = tpu.memref_slice %arg4[%add3A_915, %dma_start3A_919] : memref<160000x128xf32, #tpu.memory_space<hbm>> -> memref<256x128xf32, #tpu.memory_space<hbm>>
    %dma_start3A_921 = arith.constant 0 : i32
    %dma_start3A_922 = tpu.memref_slice %arg4[%add3A_915, %dma_start3A_921] : memref<160000x128xf32, #tpu.memory_space<hbm>> -> memref<256x128xf32, #tpu.memory_space<hbm>>
    %dma_start3A_923 = arith.constant 0 : i32
    %dma_start3A_924 = arith.constant 0 : i32
    %dma_start3A_925 = tpu.memref_slice %arg6[%dma_start3A_923, %dma_start3A_924] : memref<256x128xf32, #tpu.memory_space<vmem>> -> memref<256x128xf32, #tpu.memory_space<vmem>>
    tpu.enqueue_dma source(%dma_start3A_925 : memref<256x128xf32, #tpu.memory_space<vmem>>) target(%dma_start3A_922 : memref<256x128xf32, #tpu.memory_space<hbm>>) target_semaphore(%arg12 : memref<!tpu.dma_semaphore, #tpu.memory_space<semaphore_mem>>)
    %dma_start3A_926 = arith.constant 128 : i32
    %dma_start3A_927 = arith.constant 0 : i32
    %dma_start3A_928 = tpu.memref_slice %arg8[%dma_start3A_926, %dma_start3A_927] : memref<256x128xf32, #tpu.memory_space<vmem>> -> memref<128x128xf32, #tpu.memory_space<vmem>>
    %dma_start3A_929 = arith.constant 4480 : i32
    %dma_start3A_930 = tpu.memref_slice %arg5[%dma_start3A_929] : memref<5008xi32, #tpu.memory_space<vmem>> -> memref<128xi32, #tpu.memory_space<vmem>>
    %dma_start3A_931 = arith.constant 0 : i32
    %dma_start3A_932 = arith.constant 0 : i32
    %dma_start3A_933 = tpu.memref_slice %arg2[%dma_start3A_931, %dma_start3A_932] : memref<160000x128xf32, #tpu.memory_space<hbm>> -> memref<160000x128xf32, #tpu.memory_space<hbm>>
    tpu.enqueue_indirect_dma source(%dma_start3A_933 : memref<160000x128xf32, #tpu.memory_space<hbm>>) target(%dma_start3A_928 : memref<128x128xf32, #tpu.memory_space<vmem>>) offsets(%dma_start3A_930 : memref<128xi32, #tpu.memory_space<vmem>>) semaphore(%arg11 : memref<!tpu.dma_semaphore, #tpu.memory_space<semaphore_mem>>)
    %dma_wait3A_934 = arith.constant 0 : i32
    %dma_wait3A_935 = arith.constant 0 : i32
    %dma_wait3A_936 = tpu.memref_slice %arg7[%dma_wait3A_934, %dma_wait3A_935] : memref<256x128xf32, #tpu.memory_space<vmem>> -> memref<128x128xf32, #tpu.memory_space<vmem>>
    %dma_wait3A_937 = arith.constant 4096 : i32
    %dma_wait3A_938 = tpu.memref_slice %arg5[%dma_wait3A_937] : memref<5008xi32, #tpu.memory_space<vmem>> -> memref<128xi32, #tpu.memory_space<vmem>>
    %dma_wait3A_939 = arith.constant 0 : i32
    %dma_wait3A_940 = arith.constant 0 : i32
    %dma_wait3A_941 = tpu.memref_slice %arg2[%dma_wait3A_939, %dma_wait3A_940] : memref<160000x128xf32, #tpu.memory_space<hbm>> -> memref<160000x128xf32, #tpu.memory_space<hbm>>
    tpu.wait_indirect_dma semaphore(%arg10 : memref<!tpu.dma_semaphore, #tpu.memory_space<semaphore_mem>>) src(%dma_wait3A_941 : memref<160000x128xf32, #tpu.memory_space<hbm>>) dst(%dma_wait3A_936 : memref<128x128xf32, #tpu.memory_space<vmem>>)
    %dma_wait3A_942 = arith.constant 0 : i32
    %dma_wait3A_943 = arith.constant 0 : i32
    %dma_wait3A_944 = tpu.memref_slice %arg6[%dma_wait3A_942, %dma_wait3A_943] : memref<256x128xf32, #tpu.memory_space<vmem>> -> memref<256x128xf32, #tpu.memory_space<vmem>>
    %dma_wait3A_945 = arith.constant 0 : i32
    %dma_wait3A_946 = tpu.memref_slice %arg4[%add3A_915, %dma_wait3A_945] : memref<160000x128xf32, #tpu.memory_space<hbm>> -> memref<256x128xf32, #tpu.memory_space<hbm>>
    %dma_wait3A_947 = arith.constant 0 : i32
    %dma_wait3A_948 = tpu.memref_slice %arg4[%add3A_915, %dma_wait3A_947] : memref<160000x128xf32, #tpu.memory_space<hbm>> -> memref<256x128xf32, #tpu.memory_space<hbm>>
    %dma_wait3A_949 = arith.constant 0 : i32
    %dma_wait3A_950 = arith.constant 0 : i32
    %dma_wait3A_951 = tpu.memref_slice %arg6[%dma_wait3A_949, %dma_wait3A_950] : memref<256x128xf32, #tpu.memory_space<vmem>> -> memref<256x128xf32, #tpu.memory_space<vmem>>
    tpu.wait_dma2 semaphore(%arg12 : memref<!tpu.dma_semaphore, #tpu.memory_space<semaphore_mem>>) src(%dma_wait3A_951 : memref<256x128xf32, #tpu.memory_space<vmem>>) dst(%dma_wait3A_948 : memref<256x128xf32, #tpu.memory_space<hbm>>)
    %dma_start3A_952 = arith.constant 0 : i32
    %dma_start3A_953 = arith.constant 0 : i32
    %dma_start3A_954 = tpu.memref_slice %arg6[%dma_start3A_952, %dma_start3A_953] : memref<256x128xf32, #tpu.memory_space<vmem>> -> memref<128x128xf32, #tpu.memory_space<vmem>>
    %dma_start3A_955 = arith.constant 4608 : i32
    %dma_start3A_956 = tpu.memref_slice %arg5[%dma_start3A_955] : memref<5008xi32, #tpu.memory_space<vmem>> -> memref<128xi32, #tpu.memory_space<vmem>>
    %dma_start3A_957 = arith.constant 0 : i32
    %dma_start3A_958 = arith.constant 0 : i32
    %dma_start3A_959 = tpu.memref_slice %arg2[%dma_start3A_957, %dma_start3A_958] : memref<160000x128xf32, #tpu.memory_space<hbm>> -> memref<160000x128xf32, #tpu.memory_space<hbm>>
    tpu.enqueue_indirect_dma source(%dma_start3A_959 : memref<160000x128xf32, #tpu.memory_space<hbm>>) target(%dma_start3A_954 : memref<128x128xf32, #tpu.memory_space<vmem>>) offsets(%dma_start3A_956 : memref<128xi32, #tpu.memory_space<vmem>>) semaphore(%arg9 : memref<!tpu.dma_semaphore, #tpu.memory_space<semaphore_mem>>)
    %dma_wait3A_960 = arith.constant 128 : i32
    %dma_wait3A_961 = arith.constant 0 : i32
    %dma_wait3A_962 = tpu.memref_slice %arg7[%dma_wait3A_960, %dma_wait3A_961] : memref<256x128xf32, #tpu.memory_space<vmem>> -> memref<128x128xf32, #tpu.memory_space<vmem>>
    %dma_wait3A_963 = arith.constant 4224 : i32
    %dma_wait3A_964 = tpu.memref_slice %arg5[%dma_wait3A_963] : memref<5008xi32, #tpu.memory_space<vmem>> -> memref<128xi32, #tpu.memory_space<vmem>>
    %dma_wait3A_965 = arith.constant 0 : i32
    %dma_wait3A_966 = arith.constant 0 : i32
    %dma_wait3A_967 = tpu.memref_slice %arg2[%dma_wait3A_965, %dma_wait3A_966] : memref<160000x128xf32, #tpu.memory_space<hbm>> -> memref<160000x128xf32, #tpu.memory_space<hbm>>
    tpu.wait_indirect_dma semaphore(%arg10 : memref<!tpu.dma_semaphore, #tpu.memory_space<semaphore_mem>>) src(%dma_wait3A_967 : memref<160000x128xf32, #tpu.memory_space<hbm>>) dst(%dma_wait3A_962 : memref<128x128xf32, #tpu.memory_space<vmem>>)
    %add3A_968 = arith.constant 4096 : i32
    %add3A_969 = arith.addi %mul3A_34, %add3A_968 : i32
    %dma_start3A_970 = arith.constant 0 : i32
    %dma_start3A_971 = arith.constant 0 : i32
    %dma_start3A_972 = tpu.memref_slice %arg7[%dma_start3A_970, %dma_start3A_971] : memref<256x128xf32, #tpu.memory_space<vmem>> -> memref<256x128xf32, #tpu.memory_space<vmem>>
    %dma_start3A_973 = arith.constant 0 : i32
    %dma_start3A_974 = tpu.memref_slice %arg4[%add3A_969, %dma_start3A_973] : memref<160000x128xf32, #tpu.memory_space<hbm>> -> memref<256x128xf32, #tpu.memory_space<hbm>>
    %dma_start3A_975 = arith.constant 0 : i32
    %dma_start3A_976 = tpu.memref_slice %arg4[%add3A_969, %dma_start3A_975] : memref<160000x128xf32, #tpu.memory_space<hbm>> -> memref<256x128xf32, #tpu.memory_space<hbm>>
    %dma_start3A_977 = arith.constant 0 : i32
    %dma_start3A_978 = arith.constant 0 : i32
    %dma_start3A_979 = tpu.memref_slice %arg7[%dma_start3A_977, %dma_start3A_978] : memref<256x128xf32, #tpu.memory_space<vmem>> -> memref<256x128xf32, #tpu.memory_space<vmem>>
    tpu.enqueue_dma source(%dma_start3A_979 : memref<256x128xf32, #tpu.memory_space<vmem>>) target(%dma_start3A_976 : memref<256x128xf32, #tpu.memory_space<hbm>>) target_semaphore(%arg13 : memref<!tpu.dma_semaphore, #tpu.memory_space<semaphore_mem>>)
    %dma_start3A_980 = arith.constant 128 : i32
    %dma_start3A_981 = arith.constant 0 : i32
    %dma_start3A_982 = tpu.memref_slice %arg6[%dma_start3A_980, %dma_start3A_981] : memref<256x128xf32, #tpu.memory_space<vmem>> -> memref<128x128xf32, #tpu.memory_space<vmem>>
    %dma_start3A_983 = arith.constant 4736 : i32
    %dma_start3A_984 = tpu.memref_slice %arg5[%dma_start3A_983] : memref<5008xi32, #tpu.memory_space<vmem>> -> memref<128xi32, #tpu.memory_space<vmem>>
    %dma_start3A_985 = arith.constant 0 : i32
    %dma_start3A_986 = arith.constant 0 : i32
    %dma_start3A_987 = tpu.memref_slice %arg2[%dma_start3A_985, %dma_start3A_986] : memref<160000x128xf32, #tpu.memory_space<hbm>> -> memref<160000x128xf32, #tpu.memory_space<hbm>>
    tpu.enqueue_indirect_dma source(%dma_start3A_987 : memref<160000x128xf32, #tpu.memory_space<hbm>>) target(%dma_start3A_982 : memref<128x128xf32, #tpu.memory_space<vmem>>) offsets(%dma_start3A_984 : memref<128xi32, #tpu.memory_space<vmem>>) semaphore(%arg9 : memref<!tpu.dma_semaphore, #tpu.memory_space<semaphore_mem>>)
    %dma_wait3A_988 = arith.constant 0 : i32
    %dma_wait3A_989 = arith.constant 0 : i32
    %dma_wait3A_990 = tpu.memref_slice %arg8[%dma_wait3A_988, %dma_wait3A_989] : memref<256x128xf32, #tpu.memory_space<vmem>> -> memref<128x128xf32, #tpu.memory_space<vmem>>
    %dma_wait3A_991 = arith.constant 4352 : i32
    %dma_wait3A_992 = tpu.memref_slice %arg5[%dma_wait3A_991] : memref<5008xi32, #tpu.memory_space<vmem>> -> memref<128xi32, #tpu.memory_space<vmem>>
    %dma_wait3A_993 = arith.constant 0 : i32
    %dma_wait3A_994 = arith.constant 0 : i32
    %dma_wait3A_995 = tpu.memref_slice %arg2[%dma_wait3A_993, %dma_wait3A_994] : memref<160000x128xf32, #tpu.memory_space<hbm>> -> memref<160000x128xf32, #tpu.memory_space<hbm>>
    tpu.wait_indirect_dma semaphore(%arg11 : memref<!tpu.dma_semaphore, #tpu.memory_space<semaphore_mem>>) src(%dma_wait3A_995 : memref<160000x128xf32, #tpu.memory_space<hbm>>) dst(%dma_wait3A_990 : memref<128x128xf32, #tpu.memory_space<vmem>>)
    %dma_wait3A_996 = arith.constant 0 : i32
    %dma_wait3A_997 = arith.constant 0 : i32
    %dma_wait3A_998 = tpu.memref_slice %arg7[%dma_wait3A_996, %dma_wait3A_997] : memref<256x128xf32, #tpu.memory_space<vmem>> -> memref<256x128xf32, #tpu.memory_space<vmem>>
    %dma_wait3A_999 = arith.constant 0 : i32
    %dma_wait3A_1000 = tpu.memref_slice %arg4[%add3A_969, %dma_wait3A_999] : memref<160000x128xf32, #tpu.memory_space<hbm>> -> memref<256x128xf32, #tpu.memory_space<hbm>>
    %dma_wait3A_1001 = arith.constant 0 : i32
    %dma_wait3A_1002 = tpu.memref_slice %arg4[%add3A_969, %dma_wait3A_1001] : memref<160000x128xf32, #tpu.memory_space<hbm>> -> memref<256x128xf32, #tpu.memory_space<hbm>>
    %dma_wait3A_1003 = arith.constant 0 : i32
    %dma_wait3A_1004 = arith.constant 0 : i32
    %dma_wait3A_1005 = tpu.memref_slice %arg7[%dma_wait3A_1003, %dma_wait3A_1004] : memref<256x128xf32, #tpu.memory_space<vmem>> -> memref<256x128xf32, #tpu.memory_space<vmem>>
    tpu.wait_dma2 semaphore(%arg13 : memref<!tpu.dma_semaphore, #tpu.memory_space<semaphore_mem>>) src(%dma_wait3A_1005 : memref<256x128xf32, #tpu.memory_space<vmem>>) dst(%dma_wait3A_1002 : memref<256x128xf32, #tpu.memory_space<hbm>>)
    %dma_start3A_1006 = arith.constant 0 : i32
    %dma_start3A_1007 = arith.constant 0 : i32
    %dma_start3A_1008 = tpu.memref_slice %arg7[%dma_start3A_1006, %dma_start3A_1007] : memref<256x128xf32, #tpu.memory_space<vmem>> -> memref<128x128xf32, #tpu.memory_space<vmem>>
    %dma_start3A_1009 = arith.constant 4864 : i32
    %dma_start3A_1010 = tpu.memref_slice %arg5[%dma_start3A_1009] : memref<5008xi32, #tpu.memory_space<vmem>> -> memref<128xi32, #tpu.memory_space<vmem>>
    %dma_start3A_1011 = arith.constant 0 : i32
    %dma_start3A_1012 = arith.constant 0 : i32
    %dma_start3A_1013 = tpu.memref_slice %arg2[%dma_start3A_1011, %dma_start3A_1012] : memref<160000x128xf32, #tpu.memory_space<hbm>> -> memref<160000x128xf32, #tpu.memory_space<hbm>>
    tpu.enqueue_indirect_dma source(%dma_start3A_1013 : memref<160000x128xf32, #tpu.memory_space<hbm>>) target(%dma_start3A_1008 : memref<128x128xf32, #tpu.memory_space<vmem>>) offsets(%dma_start3A_1010 : memref<128xi32, #tpu.memory_space<vmem>>) semaphore(%arg10 : memref<!tpu.dma_semaphore, #tpu.memory_space<semaphore_mem>>)
    %dma_wait3A_1014 = arith.constant 128 : i32
    %dma_wait3A_1015 = arith.constant 0 : i32
    %dma_wait3A_1016 = tpu.memref_slice %arg8[%dma_wait3A_1014, %dma_wait3A_1015] : memref<256x128xf32, #tpu.memory_space<vmem>> -> memref<128x128xf32, #tpu.memory_space<vmem>>
    %dma_wait3A_1017 = arith.constant 4480 : i32
    %dma_wait3A_1018 = tpu.memref_slice %arg5[%dma_wait3A_1017] : memref<5008xi32, #tpu.memory_space<vmem>> -> memref<128xi32, #tpu.memory_space<vmem>>
    %dma_wait3A_1019 = arith.constant 0 : i32
    %dma_wait3A_1020 = arith.constant 0 : i32
    %dma_wait3A_1021 = tpu.memref_slice %arg2[%dma_wait3A_1019, %dma_wait3A_1020] : memref<160000x128xf32, #tpu.memory_space<hbm>> -> memref<160000x128xf32, #tpu.memory_space<hbm>>
    tpu.wait_indirect_dma semaphore(%arg11 : memref<!tpu.dma_semaphore, #tpu.memory_space<semaphore_mem>>) src(%dma_wait3A_1021 : memref<160000x128xf32, #tpu.memory_space<hbm>>) dst(%dma_wait3A_1016 : memref<128x128xf32, #tpu.memory_space<vmem>>)
    %add3A_1022 = arith.constant 4352 : i32
    %add3A_1023 = arith.addi %mul3A_34, %add3A_1022 : i32
    %dma_start3A_1024 = arith.constant 0 : i32
    %dma_start3A_1025 = arith.constant 0 : i32
    %dma_start3A_1026 = tpu.memref_slice %arg8[%dma_start3A_1024, %dma_start3A_1025] : memref<256x128xf32, #tpu.memory_space<vmem>> -> memref<256x128xf32, #tpu.memory_space<vmem>>
    %dma_start3A_1027 = arith.constant 0 : i32
    %dma_start3A_1028 = tpu.memref_slice %arg4[%add3A_1023, %dma_start3A_1027] : memref<160000x128xf32, #tpu.memory_space<hbm>> -> memref<256x128xf32, #tpu.memory_space<hbm>>
    %dma_start3A_1029 = arith.constant 0 : i32
    %dma_start3A_1030 = tpu.memref_slice %arg4[%add3A_1023, %dma_start3A_1029] : memref<160000x128xf32, #tpu.memory_space<hbm>> -> memref<256x128xf32, #tpu.memory_space<hbm>>
    %dma_start3A_1031 = arith.constant 0 : i32
    %dma_start3A_1032 = arith.constant 0 : i32
    %dma_start3A_1033 = tpu.memref_slice %arg8[%dma_start3A_1031, %dma_start3A_1032] : memref<256x128xf32, #tpu.memory_space<vmem>> -> memref<256x128xf32, #tpu.memory_space<vmem>>
    tpu.enqueue_dma source(%dma_start3A_1033 : memref<256x128xf32, #tpu.memory_space<vmem>>) target(%dma_start3A_1030 : memref<256x128xf32, #tpu.memory_space<hbm>>) target_semaphore(%arg14 : memref<!tpu.dma_semaphore, #tpu.memory_space<semaphore_mem>>)
    %dma_start3A_1034 = arith.constant 128 : i32
    %dma_start3A_1035 = arith.constant 0 : i32
    %dma_start3A_1036 = tpu.memref_slice %arg7[%dma_start3A_1034, %dma_start3A_1035] : memref<256x128xf32, #tpu.memory_space<vmem>> -> memref<8x128xf32, #tpu.memory_space<vmem>>
    %dma_start3A_1037 = arith.constant 4992 : i32
    %dma_start3A_1038 = tpu.memref_slice %arg5[%dma_start3A_1037] : memref<5008xi32, #tpu.memory_space<vmem>> -> memref<8xi32, #tpu.memory_space<vmem>>
    %dma_start3A_1039 = arith.constant 0 : i32
    %dma_start3A_1040 = arith.constant 0 : i32
    %dma_start3A_1041 = tpu.memref_slice %arg2[%dma_start3A_1039, %dma_start3A_1040] : memref<160000x128xf32, #tpu.memory_space<hbm>> -> memref<160000x128xf32, #tpu.memory_space<hbm>>
    tpu.enqueue_indirect_dma source(%dma_start3A_1041 : memref<160000x128xf32, #tpu.memory_space<hbm>>) target(%dma_start3A_1036 : memref<8x128xf32, #tpu.memory_space<vmem>>) offsets(%dma_start3A_1038 : memref<8xi32, #tpu.memory_space<vmem>>) semaphore(%arg10 : memref<!tpu.dma_semaphore, #tpu.memory_space<semaphore_mem>>)
    %dma_wait3A_1042 = arith.constant 0 : i32
    %dma_wait3A_1043 = arith.constant 0 : i32
    %dma_wait3A_1044 = tpu.memref_slice %arg6[%dma_wait3A_1042, %dma_wait3A_1043] : memref<256x128xf32, #tpu.memory_space<vmem>> -> memref<128x128xf32, #tpu.memory_space<vmem>>
    %dma_wait3A_1045 = arith.constant 4608 : i32
    %dma_wait3A_1046 = tpu.memref_slice %arg5[%dma_wait3A_1045] : memref<5008xi32, #tpu.memory_space<vmem>> -> memref<128xi32, #tpu.memory_space<vmem>>
    %dma_wait3A_1047 = arith.constant 0 : i32
    %dma_wait3A_1048 = arith.constant 0 : i32
    %dma_wait3A_1049 = tpu.memref_slice %arg2[%dma_wait3A_1047, %dma_wait3A_1048] : memref<160000x128xf32, #tpu.memory_space<hbm>> -> memref<160000x128xf32, #tpu.memory_space<hbm>>
    tpu.wait_indirect_dma semaphore(%arg9 : memref<!tpu.dma_semaphore, #tpu.memory_space<semaphore_mem>>) src(%dma_wait3A_1049 : memref<160000x128xf32, #tpu.memory_space<hbm>>) dst(%dma_wait3A_1044 : memref<128x128xf32, #tpu.memory_space<vmem>>)
    %dma_wait3A_1050 = arith.constant 128 : i32
    %dma_wait3A_1051 = arith.constant 0 : i32
    %dma_wait3A_1052 = tpu.memref_slice %arg6[%dma_wait3A_1050, %dma_wait3A_1051] : memref<256x128xf32, #tpu.memory_space<vmem>> -> memref<128x128xf32, #tpu.memory_space<vmem>>
    %dma_wait3A_1053 = arith.constant 4736 : i32
    %dma_wait3A_1054 = tpu.memref_slice %arg5[%dma_wait3A_1053] : memref<5008xi32, #tpu.memory_space<vmem>> -> memref<128xi32, #tpu.memory_space<vmem>>
    %dma_wait3A_1055 = arith.constant 0 : i32
    %dma_wait3A_1056 = arith.constant 0 : i32
    %dma_wait3A_1057 = tpu.memref_slice %arg2[%dma_wait3A_1055, %dma_wait3A_1056] : memref<160000x128xf32, #tpu.memory_space<hbm>> -> memref<160000x128xf32, #tpu.memory_space<hbm>>
    tpu.wait_indirect_dma semaphore(%arg9 : memref<!tpu.dma_semaphore, #tpu.memory_space<semaphore_mem>>) src(%dma_wait3A_1057 : memref<160000x128xf32, #tpu.memory_space<hbm>>) dst(%dma_wait3A_1052 : memref<128x128xf32, #tpu.memory_space<vmem>>)
    %add3A_1058 = arith.constant 4608 : i32
    %add3A_1059 = arith.addi %mul3A_34, %add3A_1058 : i32
    %dma_start3A_1060 = arith.constant 0 : i32
    %dma_start3A_1061 = arith.constant 0 : i32
    %dma_start3A_1062 = tpu.memref_slice %arg6[%dma_start3A_1060, %dma_start3A_1061] : memref<256x128xf32, #tpu.memory_space<vmem>> -> memref<256x128xf32, #tpu.memory_space<vmem>>
    %dma_start3A_1063 = arith.constant 0 : i32
    %dma_start3A_1064 = tpu.memref_slice %arg4[%add3A_1059, %dma_start3A_1063] : memref<160000x128xf32, #tpu.memory_space<hbm>> -> memref<256x128xf32, #tpu.memory_space<hbm>>
    %dma_start3A_1065 = arith.constant 0 : i32
    %dma_start3A_1066 = tpu.memref_slice %arg4[%add3A_1059, %dma_start3A_1065] : memref<160000x128xf32, #tpu.memory_space<hbm>> -> memref<256x128xf32, #tpu.memory_space<hbm>>
    %dma_start3A_1067 = arith.constant 0 : i32
    %dma_start3A_1068 = arith.constant 0 : i32
    %dma_start3A_1069 = tpu.memref_slice %arg6[%dma_start3A_1067, %dma_start3A_1068] : memref<256x128xf32, #tpu.memory_space<vmem>> -> memref<256x128xf32, #tpu.memory_space<vmem>>
    tpu.enqueue_dma source(%dma_start3A_1069 : memref<256x128xf32, #tpu.memory_space<vmem>>) target(%dma_start3A_1066 : memref<256x128xf32, #tpu.memory_space<hbm>>) target_semaphore(%arg12 : memref<!tpu.dma_semaphore, #tpu.memory_space<semaphore_mem>>)
    %dma_wait3A_1070 = arith.constant 0 : i32
    %dma_wait3A_1071 = arith.constant 0 : i32
    %dma_wait3A_1072 = tpu.memref_slice %arg7[%dma_wait3A_1070, %dma_wait3A_1071] : memref<256x128xf32, #tpu.memory_space<vmem>> -> memref<128x128xf32, #tpu.memory_space<vmem>>
    %dma_wait3A_1073 = arith.constant 4864 : i32
    %dma_wait3A_1074 = tpu.memref_slice %arg5[%dma_wait3A_1073] : memref<5008xi32, #tpu.memory_space<vmem>> -> memref<128xi32, #tpu.memory_space<vmem>>
    %dma_wait3A_1075 = arith.constant 0 : i32
    %dma_wait3A_1076 = arith.constant 0 : i32
    %dma_wait3A_1077 = tpu.memref_slice %arg2[%dma_wait3A_1075, %dma_wait3A_1076] : memref<160000x128xf32, #tpu.memory_space<hbm>> -> memref<160000x128xf32, #tpu.memory_space<hbm>>
    tpu.wait_indirect_dma semaphore(%arg10 : memref<!tpu.dma_semaphore, #tpu.memory_space<semaphore_mem>>) src(%dma_wait3A_1077 : memref<160000x128xf32, #tpu.memory_space<hbm>>) dst(%dma_wait3A_1072 : memref<128x128xf32, #tpu.memory_space<vmem>>)
    %dma_wait3A_1078 = arith.constant 128 : i32
    %dma_wait3A_1079 = arith.constant 0 : i32
    %dma_wait3A_1080 = tpu.memref_slice %arg7[%dma_wait3A_1078, %dma_wait3A_1079] : memref<256x128xf32, #tpu.memory_space<vmem>> -> memref<8x128xf32, #tpu.memory_space<vmem>>
    %dma_wait3A_1081 = arith.constant 4992 : i32
    %dma_wait3A_1082 = tpu.memref_slice %arg5[%dma_wait3A_1081] : memref<5008xi32, #tpu.memory_space<vmem>> -> memref<8xi32, #tpu.memory_space<vmem>>
    %dma_wait3A_1083 = arith.constant 0 : i32
    %dma_wait3A_1084 = arith.constant 0 : i32
    %dma_wait3A_1085 = tpu.memref_slice %arg2[%dma_wait3A_1083, %dma_wait3A_1084] : memref<160000x128xf32, #tpu.memory_space<hbm>> -> memref<160000x128xf32, #tpu.memory_space<hbm>>
    tpu.wait_indirect_dma semaphore(%arg10 : memref<!tpu.dma_semaphore, #tpu.memory_space<semaphore_mem>>) src(%dma_wait3A_1085 : memref<160000x128xf32, #tpu.memory_space<hbm>>) dst(%dma_wait3A_1080 : memref<8x128xf32, #tpu.memory_space<vmem>>)
    %add3A_1086 = arith.constant 4864 : i32
    %add3A_1087 = arith.addi %mul3A_34, %add3A_1086 : i32
    %dma_start3A_1088 = arith.constant 0 : i32
    %dma_start3A_1089 = arith.constant 0 : i32
    %dma_start3A_1090 = tpu.memref_slice %arg7[%dma_start3A_1088, %dma_start3A_1089] : memref<256x128xf32, #tpu.memory_space<vmem>> -> memref<136x128xf32, #tpu.memory_space<vmem>>
    %dma_start3A_1091 = arith.constant 0 : i32
    %dma_start3A_1092 = tpu.memref_slice %arg4[%add3A_1087, %dma_start3A_1091] : memref<160000x128xf32, #tpu.memory_space<hbm>> -> memref<136x128xf32, #tpu.memory_space<hbm>>
    %dma_start3A_1093 = arith.constant 0 : i32
    %dma_start3A_1094 = tpu.memref_slice %arg4[%add3A_1087, %dma_start3A_1093] : memref<160000x128xf32, #tpu.memory_space<hbm>> -> memref<136x128xf32, #tpu.memory_space<hbm>>
    %dma_start3A_1095 = arith.constant 0 : i32
    %dma_start3A_1096 = arith.constant 0 : i32
    %dma_start3A_1097 = tpu.memref_slice %arg7[%dma_start3A_1095, %dma_start3A_1096] : memref<256x128xf32, #tpu.memory_space<vmem>> -> memref<136x128xf32, #tpu.memory_space<vmem>>
    tpu.enqueue_dma source(%dma_start3A_1097 : memref<136x128xf32, #tpu.memory_space<vmem>>) target(%dma_start3A_1094 : memref<136x128xf32, #tpu.memory_space<hbm>>) target_semaphore(%arg13 : memref<!tpu.dma_semaphore, #tpu.memory_space<semaphore_mem>>)
    %dma_wait3A_1098 = arith.constant 0 : i32
    %dma_wait3A_1099 = arith.constant 0 : i32
    %dma_wait3A_1100 = tpu.memref_slice %arg8[%dma_wait3A_1098, %dma_wait3A_1099] : memref<256x128xf32, #tpu.memory_space<vmem>> -> memref<256x128xf32, #tpu.memory_space<vmem>>
    %dma_wait3A_1101 = arith.constant 0 : i32
    %dma_wait3A_1102 = tpu.memref_slice %arg4[%add3A_1023, %dma_wait3A_1101] : memref<160000x128xf32, #tpu.memory_space<hbm>> -> memref<256x128xf32, #tpu.memory_space<hbm>>
    %dma_wait3A_1103 = arith.constant 0 : i32
    %dma_wait3A_1104 = tpu.memref_slice %arg4[%add3A_1023, %dma_wait3A_1103] : memref<160000x128xf32, #tpu.memory_space<hbm>> -> memref<256x128xf32, #tpu.memory_space<hbm>>
    %dma_wait3A_1105 = arith.constant 0 : i32
    %dma_wait3A_1106 = arith.constant 0 : i32
    %dma_wait3A_1107 = tpu.memref_slice %arg8[%dma_wait3A_1105, %dma_wait3A_1106] : memref<256x128xf32, #tpu.memory_space<vmem>> -> memref<256x128xf32, #tpu.memory_space<vmem>>
    tpu.wait_dma2 semaphore(%arg14 : memref<!tpu.dma_semaphore, #tpu.memory_space<semaphore_mem>>) src(%dma_wait3A_1107 : memref<256x128xf32, #tpu.memory_space<vmem>>) dst(%dma_wait3A_1104 : memref<256x128xf32, #tpu.memory_space<hbm>>)
    %dma_wait3A_1108 = arith.constant 0 : i32
    %dma_wait3A_1109 = arith.constant 0 : i32
    %dma_wait3A_1110 = tpu.memref_slice %arg6[%dma_wait3A_1108, %dma_wait3A_1109] : memref<256x128xf32, #tpu.memory_space<vmem>> -> memref<256x128xf32, #tpu.memory_space<vmem>>
    %dma_wait3A_1111 = arith.constant 0 : i32
    %dma_wait3A_1112 = tpu.memref_slice %arg4[%add3A_1059, %dma_wait3A_1111] : memref<160000x128xf32, #tpu.memory_space<hbm>> -> memref<256x128xf32, #tpu.memory_space<hbm>>
    %dma_wait3A_1113 = arith.constant 0 : i32
    %dma_wait3A_1114 = tpu.memref_slice %arg4[%add3A_1059, %dma_wait3A_1113] : memref<160000x128xf32, #tpu.memory_space<hbm>> -> memref<256x128xf32, #tpu.memory_space<hbm>>
    %dma_wait3A_1115 = arith.constant 0 : i32
    %dma_wait3A_1116 = arith.constant 0 : i32
    %dma_wait3A_1117 = tpu.memref_slice %arg6[%dma_wait3A_1115, %dma_wait3A_1116] : memref<256x128xf32, #tpu.memory_space<vmem>> -> memref<256x128xf32, #tpu.memory_space<vmem>>
    tpu.wait_dma2 semaphore(%arg12 : memref<!tpu.dma_semaphore, #tpu.memory_space<semaphore_mem>>) src(%dma_wait3A_1117 : memref<256x128xf32, #tpu.memory_space<vmem>>) dst(%dma_wait3A_1114 : memref<256x128xf32, #tpu.memory_space<hbm>>)
    %dma_wait3A_1118 = arith.constant 0 : i32
    %dma_wait3A_1119 = arith.constant 0 : i32
    %dma_wait3A_1120 = tpu.memref_slice %arg7[%dma_wait3A_1118, %dma_wait3A_1119] : memref<256x128xf32, #tpu.memory_space<vmem>> -> memref<136x128xf32, #tpu.memory_space<vmem>>
    %dma_wait3A_1121 = arith.constant 0 : i32
    %dma_wait3A_1122 = tpu.memref_slice %arg4[%add3A_1087, %dma_wait3A_1121] : memref<160000x128xf32, #tpu.memory_space<hbm>> -> memref<136x128xf32, #tpu.memory_space<hbm>>
    %dma_wait3A_1123 = arith.constant 0 : i32
    %dma_wait3A_1124 = tpu.memref_slice %arg4[%add3A_1087, %dma_wait3A_1123] : memref<160000x128xf32, #tpu.memory_space<hbm>> -> memref<136x128xf32, #tpu.memory_space<hbm>>
    %dma_wait3A_1125 = arith.constant 0 : i32
    %dma_wait3A_1126 = arith.constant 0 : i32
    %dma_wait3A_1127 = tpu.memref_slice %arg7[%dma_wait3A_1125, %dma_wait3A_1126] : memref<256x128xf32, #tpu.memory_space<vmem>> -> memref<136x128xf32, #tpu.memory_space<vmem>>
    tpu.wait_dma2 semaphore(%arg13 : memref<!tpu.dma_semaphore, #tpu.memory_space<semaphore_mem>>) src(%dma_wait3A_1127 : memref<136x128xf32, #tpu.memory_space<vmem>>) dst(%dma_wait3A_1124 : memref<136x128xf32, #tpu.memory_space<hbm>>)
    return
  }
}

</mosaic_0001>

<sc_bundles>
// kernel: kernel.3.cloned.1.call-start
scs
__scs_entry_jumppad:
0x0: {  	(pc) =	sbr.rel $0x88, $3  }
0x1: {  	(tag) =	ssettag $0x0;
	lr =	simm.s32 $0x1  }
0x2: {  	[smem:$0x3F9F] =	sst lr;
	_ =	strace $0xD0000000  }
0x3: {  	_ = 	snop  }
0x4: {  	_ = 	snop  }
0x5: {  	_ = 	snop  }
0x6: {  	_ = 	snop  }
0x7: {  	_ = 	snop  }
__scs_overlays_trampoline_lowered:
0x8: {  	[smem:$0x3FAE] =	sst s0  }
0x9: {  	[smem:$0x3FAF] =	sst s1  }
0xa: {  	[smem:$0x3FB0] =	sst s2  }
0xb: {  	[smem:$0x3FB1] =	sst s3  }
0xc: {  	[smem:$0x3FB2] =	sst s4  }
0xd: {  	[smem:$0x3FB3] =	sst s5  }
0xe: {  	[smem:$0x3FB4] =	sst s6  }
0xf: {  	[smem:$0x3FB5] =	sst s7  }
0x10: {  	[smem:$0x3FB6] =	sst s8  }
0x11: {  	[smem:$0x3FB7] =	sst s9;
	s0 =	simm.s32 @!p0 $0x0  }
0x12: {  	s1 =	sld [smem:$0x3F9D];
	s0 =	simm.s32 @p0 $0x1  }
0x13: {  	[smem:$0x3FB8] =	sst s0;
	s0 =	simm.s32 @!p1 $0x0  }
0x14: {  	s2 =	sld [smem:$0x3F9C];
	s0 =	simm.s32 @p1 $0x1  }
0x15: {  	[smem:$0x3FB9] =	sst s0;
	s0 =	simm.s32 @!p2 $0x0  }
0x16: {  	s3 =	sld [smem:$0x3FDB];
	s0 =	simm.s32 @p2 $0x1  }
0x17: {  	s4 =	simm.s32 $0x1BF5;
	[smem:$0x3FBB] =	sst s0  }
0x18: {  	s0 =	sld [smem:$0x3F9E];
	_ =	swait.ge [sflag:s4], $0x0  }
0x19: {  	s7 =	sld [smem:$0x3F9F]  }
0x1a: {  	s8 =	sadd.s32 $0xFFFFE003, lr  }
0x1b: {  	s9 =	sadd.s32 $0xFFFFFEF7, lr;
	s5 =	simm.s32 $0xFFFFFFFF;
	p2 =	slt.u32 s8, $0xFFFFF086  }
0x1c: {  	p1 =	slt.u32 s9, $0xF7A;
	s5 =	simm.s32 @!p2 $0x0  }
0x1d: {  	s5 =	simm.s32 @p1 $0x1;
	p0 =	seq.s32 s7, s2  }
0x1e: {  	s7 =	smul.u32 @!p0 $0xF7A, s2;
	p2 =	seq.s32 @!p0 s5, $0x0  }
0x1f: {  	s9 =	smul.u32 $0xF7A, s1;
	s8 =	simm.s32 @!p0 $0x1BF5;
	p2 =	por !p2, p0  }
0x20: {  	[sflag:s8] =	ssyncset.s32 @!p0 $0xFFFFF086;
	s6 =	sadd.s32 @!p0 s3, s7;
	s7 =	simm.s32 @!p0 $0x108  }
0x21: {  	s3 =	sadd.s32 s3, s9;
	s6 =	sadd.s32 @!p0 $0x88, s6;
	s7 =	simm.s32 @p2 $0x1082  }
0x22: {  	[simem:s7], [sflag:s8] =	dma.local @!p0 [hbm:s6], $0xF7A  }
0x23: {  	s9 =	sor.u32 $0xD0000000, s2;
	s6 =	simm.s32 $0x108;
	_ =	swait.ge @!p0 [sflag:s8], $0x0  }
0x24: {  	s3 =	sadd.s32 $0x88, s3;
	s6 =	simm.s32 @!p1 $0x1082;
	[sflag:s4] =	ssyncset.s32 $0xFFFFF086  }
0x25: {  	[simem:s6], [sflag:s4] =	dma.local [hbm:s3], $0xF7A  }
0x26: {  	[smem:$0x3F9F] =	sst s1;
	(tag) =	ssettag s2;
	_ =	strace s9  }
0x27: {  	s1 =	sld [smem:$0x3FAF]  }
0x28: {  	s2 =	sld [smem:$0x3FB0]  }
0x29: {  	s4 =	sld [smem:$0x3FB2]  }
0x2a: {  	p0 =	seq.s32 s5, $0x0;
	s5 =	sld [smem:$0x3FB3]  }
0x2b: {  	s6 =	sld [smem:$0x3FB4]  }
0x2c: {  	s7 =	sld [smem:$0x3FB5]  }
0x2d: {  	s3 =	simm.s32 $0x108;
	s8 =	sld [smem:$0x3FB6]  }
0x2e: {  	s3 =	simm.s32 @!p0 $0x1082;
	s9 =	sld [smem:$0x3FB7]  }
0x2f: {  	lr =	sadd.s32 s0, s3;
	s0 =	sld [smem:$0x3FAE]  }
0x30: {  	s3 =	sld [smem:$0x3FB1]  }
0x31: {  	[smem:$0x3FBA] =	sst s10  }
0x32: {  	s10 =	sld [smem:$0x3FB8];
	_ =	sdelay $0x3  }
0x33: {  	p0 =	seq.s32 s10, $0x1;
	s10 =	sld [smem:$0x3FBA];
	_ =	sdelay $0x3  }
0x34: {  	[smem:$0x3FBA] =	sst s10  }
0x35: {  	s10 =	sld [smem:$0x3FB9];
	_ =	sdelay $0x3  }
0x36: {  	p1 =	seq.s32 s10, $0x1;
	s10 =	sld [smem:$0x3FBA];
	_ =	sdelay $0x3  }
0x37: {  	[smem:$0x3FBA] =	sst s10  }
0x38: {  	s10 =	sld [smem:$0x3FBB]  }
0x39: {  	_ = 	snop;
	(pc) =	sbr.ind lr, $3  }
0x3a: {  	_ = 	snop  }
0x3b: {  	_ = 	snop  }
0x3c: {  	p2 =	seq.s32 s10, $0x1;
	s10 =	sld [smem:$0x3FBA]  }
0x3d: {  	_ =	shalt  }
0x3e: {  	_ =	shalt  }
0x3f: {  	_ =	shalt  }
0x40: {  	_ =	shalt  }
0x41: {  	_ =	shalt  }
0x42: {  	_ =	shalt  }
0x43: {  	_ =	shalt  }
0x44: {  	_ =	shalt  }
0x45: {  	_ =	shalt  }
0x46: {  	_ =	shalt  }
0x47: {  	_ =	shalt  }
0x48: {  	_ =	shalt  }
0x49: {  	_ =	shalt  }
0x4a: {  	_ =	shalt  }
0x4b: {  	_ =	shalt  }
0x4c: {  	_ =	shalt  }
0x4d: {  	_ =	shalt  }
0x4e: {  	_ =	shalt  }
0x4f: {  	_ =	shalt  }
0x50: {  	_ =	shalt  }
0x51: {  	_ =	shalt  }
0x52: {  	_ =	shalt  }
0x53: {  	_ =	shalt  }
0x54: {  	_ =	shalt  }
0x55: {  	_ =	shalt  }
0x56: {  	_ =	shalt  }
0x57: {  	_ =	shalt  }
0x58: {  	_ =	shalt  }
0x59: {  	_ =	shalt  }
0x5a: {  	_ =	shalt  }
0x5b: {  	_ =	shalt  }
0x5c: {  	_ =	shalt  }
0x5d: {  	_ =	shalt  }
0x5e: {  	_ =	shalt  }
0x5f: {  	_ =	shalt  }
0x60: {  	_ =	shalt  }
0x61: {  	_ =	shalt  }
0x62: {  	_ =	shalt  }
0x63: {  	_ =	shalt  }
0x64: {  	_ =	shalt  }
0x65: {  	_ =	shalt  }
0x66: {  	_ =	shalt  }
0x67: {  	_ =	shalt  }
0x68: {  	_ =	shalt  }
0x69: {  	_ =	shalt  }
0x6a: {  	_ =	shalt  }
0x6b: {  	_ =	shalt  }
0x6c: {  	_ =	shalt  }
0x6d: {  	_ =	shalt  }
0x6e: {  	_ =	shalt  }
0x6f: {  	_ =	shalt  }
0x70: {  	_ =	shalt  }
0x71: {  	_ =	shalt  }
0x72: {  	_ =	shalt  }
0x73: {  	_ =	shalt  }
0x74: {  	_ =	shalt  }
0x75: {  	_ =	shalt  }
0x76: {  	_ =	shalt  }
0x77: {  	_ =	shalt  }
0x78: {  	_ =	shalt  }
0x79: {  	_ =	shalt  }
0x7a: {  	_ =	shalt  }
0x7b: {  	_ =	shalt  }
0x7c: {  	_ =	shalt  }
0x7d: {  	_ =	shalt  }
0x7e: {  	_ =	shalt  }
0x7f: {  	_ =	shalt  }
0x80: {  	_ =	shalt  }
0x81: {  	_ =	shalt  }
0x82: {  	_ =	shalt  }
0x83: {  	_ =	shalt  }
0x84: {  	_ =	shalt  }
0x85: {  	_ =	shalt  }
0x86: {  	_ =	shalt  }
0x87: {  	_ =	shalt  }
.Lfunc_end0:
.L_simem_size_0:
called_computation_lowered:
.L_overlay_start_0:
0x88: {  	s2 =	sld [smem:$0x3FD9]  }
0x89: {  	s3 =	sld [smem:$0x3FFE];
	_ =	sdelay $0x1  }
0x8a: {  	s1 =	srdreg.scid  }
0x8b: {  	s0 =	sand.u32 $0x1, s1  }
0x8c: {  	s18 =	sshll.u32 s0, $0xA;
	s2 =	sadd.s32 s3, s2  }
0x8d: {  	s2 =	sadd.s32 s2, s18  }
0x8e: {  	[smem:$0x3FC6] =	sst s2  }
0x8f: {  	_ = 	snop  }
0x90: {  	s2 =	sld [smem:$0x3FC9]  }
0x91: {  	s19 =	sld [smem:$0x3FC8]  }
0x92: {  	s4 =	sld [smem:$0x3FD0];
	(tm) =	ssettm $0x1  }
0x93: {  	s5 =	sld [smem:$0x3FFB];
	_ =	sdelay $0x3  }
0x94: {  	_ =	strace s5  }
0x95: {  	s5 =	sld [smem:$0x3FFC];
	_ =	sdelay $0x3  }
0x96: {  	_ =	strace s5  }
0x97: {  	s5 =	sld [smem:$0x3FFD];
	_ =	sdelay $0x3  }
0x98: {  	_ =	strace s5  }
0x99: {  	_ =	strace $0x8FFFFFFF  }
0x9a: {  	s20 =	sld [smem:$0x3FDB];
	_ =	sdelay $0x1  }
0x9b: {  	s6 =	simm.s32 $_scs_section_size  }
0x9c: {  	s7 =	simm.s32 $_size__tile_overlayer_lowered;
	s8 =	simm.s32 $_tile_overlayer_lowered  }
0x9d: {  	s23 =	simm.s32 $0x1BFF;
	s22 =	sshll.u32 s8, $0x1;
	s5 =	sadd.s32 s6, s20  }
0x9e: {  	s9 =	simm.s32 $0x0;
	s21 =	sshll.u32 s7, $0x1;
	s7 =	sadd.s32 s22, s5  }
0x9f: {  	[timem:s9], [sflag:s23] =	dma.local [hbm:s7], s21  }
0xa0: {  	_ =	swait.ge [sflag:s23], s21  }
0xa1: {  	s6 =	ssub.s32 $0x0, s21;
	[sflag:s23] =	ssyncset.done $0x0  }
0xa2: {  	[sflag:s23] =	ssyncadd.s32 s6;
	_ =	sdelay $0x1  }
0xa3: {  	s24 =	simm.s32 $0x1B8B  }
0xa4: {  	_ =	swait.ge [sflag:s24], $0x1  }
0xa5: {  	[sflag:s24] =	ssyncset.done $0x0  }
0xa6: {  	s25 =	simm.s32 $0x1B8E;
	[sflag:s24] =	ssyncadd.s32 $0xFFFFFFFF  }
0xa7: {  	s26 =	simm.s32 $execute0_lowered;
	[smem:$0x3FD2] =	sst s25  }
0xa8: {  	s6 =	sshll.u32 s26, $0x1;
	_ =	strace $0x80000046;
	[dreg:$0x1] =	wrdreg $0xFFFFFFFF  }
0xa9: {  	s28 =	simm.s32 $_size_execute0_lowered;
	s5 =	sadd.s32 s5, s6;
	[dreg:$0x0] =	wrdreg $0x0  }
0xaa: {  	s6 =	sshll.u32 s28, $0x1;
	[dreg:$0x2] =	wrdreg s5  }
0xab: {  	[dreg:$0x3] =	wrdreg s6  }
0xac: {  	[dreg:$0x4] =	wrdreg $0xC0  }
0xad: {  	_ =	task [dreg:s9], $0x5FFFF  }
0xae: {  	[dreg:$0x1] =	wrdreg $0xFFFFFFFF  }
0xaf: {  	[dreg:$0x0] =	wrdreg $0x60  }
0xb0: {  	[dreg:$0x2] =	wrdreg s2  }
0xb1: {  	[dreg:$0x3] =	wrdreg s19  }
0xb2: {  	[dreg:$0x4] =	wrdreg s4  }
0xb3: {  	[dreg:$0x5] =	wrdreg $0x9  }
0xb4: {  	_ =	task.clear_ibuf [dreg:s9], $0x6FFFF;
	_ =	strace $0x90000046  }
0xb5: {  	s29 =	simm.s32 $0x9;
	_ =	strace $0x80000048  }
0xb6: {  	_ =	swait.ge [sflag:s29], $0x1  }
0xb7: {  	[sflag:s29] =	ssyncadd.s32 $0xFFFFFFFF  }
0xb8: {  	_ =	strace $0x90000048  }
0xb9: {  	_ =	sfence  }
0xba: {  	s30 =	sld [smem:$0x0];
	_ =	sdelay $0x2  }
0xbb: {  	s31 =	sshll.u32 s1, $0xD;
	s1 =	sshrl.u32 s1, $0x2  }
0xbc: {  	s3 =	sand.u32 $0x4000, s31;
	s1 =	sadd.s32 s1, s30  }
0xbd: {  	s0 =	sor.u32 s3, s0;
	s1 =	sshll.u32 s1, $0x11  }
0xbe: {  	s0 =	sor.u32 s1, s0  }
0xbf: {  	s0 =	sadd.s32 $0x8F2B, s0  }
0xc0: {  	[sflag:s0] =	ssyncadd.remote.s32 $0x1  }
0xc1: {  	_ =	sfence.sel $0xFFFF  }
0xc2: {  	[dreg:$0x0] =	wrdreg $0xFFFFFFFF;
	(pc) =	sbr.abs _section_cstart, $3  }
0xc3: {  	[dreg:$0x1] =	wrdreg $0xFFFFFFFF  }
0xc4: {  	_ =	task.clear_ibuf [dreg:s9], $0x2FFFF;
	_ =	strace $0x9FFFFFFF  }
0xc5: {  	(tm) =	ssettm $0x7FFFFFFF  }
tec
execute0_lowered:
.L_overlay_start_1:
0x0: {  	(tag) =	ssettag $0x1  }
0x1: {  	s1 =	rddreg [dreg:$0x0]  }
0x2: {  	s0 =	rddreg [dreg:$0x1];
	s2 =	srdreg.scid  }
0x3: {  	s8 =	stileid.u32;
	s4 =	rddreg [dreg:$0x2]  }
0x4: {  	s3 =	simm.s32 $0x0;
	s7 =	simm.s32 $0x1;
	s29 =	simm.s32 $0x7  }
0x5: {  	s30 =	simm.s32 $0x80;
	s2 =	sand.u32 $0x1, s2;
	s5 =	sshll.u32 s8, $0x1  }
0x6: {  	s31 =	simm.s32 $0x1400;
	s9 =	simm.s32 $0x2;
	s5 =	sor.u32 s2, s5  }
0x7: {  	p1 =	seq.s32 s2, $0x1;
	s2 =	ssub.s32 $0x2, s2;
	s12 =	smul.u32 $0x9C400, s5  }
0x8: {  	p0 =	seq.s32 s5, $0x0;
	s6 =	sshrl.u32 s2, $0x1;
	s5 =	smul.u32 $0x13880, s5  }
0x9: {  	s10 =	simm.s32 $0x4;
	s2 =	ssub.s32 s2, s6;
	s6 =	sshrl.u32 s12, $0x3  }
0xa: {  	[smem:$0x7FF] =	sst s3;
	s15 =	sadd.s32 s4, s5;
	s16 =	sadd.s32 s4, s6  }
0xb: {  	_ =	strace $0x80000047;
	[dreg:$0x4] =	wrdreg s15;
	s4 =	sadd.s32 $0x1000, s16  }
0xc: {  	s11 =	simm.s32 $0x3;
	s17 =	sadd.s32 $0x2000, s16;
	[dreg:$0x5] =	wrdreg s4  }
0xd: {  	p0 =	por !p0, !p1;
	s18 =	sadd.s32 $0x3000, s16;
	[dreg:$0x6] =	wrdreg s17  }
0xe: {  	p0 =	por !p0, !p0;
	s19 =	sadd.s32 $0x4000, s16;
	[dreg:$0x7] =	wrdreg s18  }
0xf: {  	s5 =	simm.s32 $0xD400;
	s20 =	sadd.s32 $0x5000, s16;
	[dreg:$0x8] =	wrdreg s19  }
0x10: {  	s12 =	simm.s32 $0x5;
	s21 =	sadd.s32 $0x6000, s16;
	[dreg:$0x9] =	wrdreg s20  }
0x11: {  	s7 =	simm.s32 @!p0 $0x0;
	s22 =	sadd.s32 $0x7000, s16;
	[dreg:$0xa] =	wrdreg s21  }
0x12: {  	s6 =	simm.s32 $0x200;
	s23 =	sadd.s32 $0x8000, s16;
	[dreg:$0xb] =	wrdreg s22  }
0x13: {  	s7 =	ssub.s32 s8, s7;
	s24 =	sadd.s32 $0x9000, s16;
	[dreg:$0xc] =	wrdreg s23  }
0x14: {  	s8 =	simm.s32 $0x271;
	s25 =	sadd.s32 $0xA000, s16;
	[dreg:$0xd] =	wrdreg s24  }
0x15: {  	s26 =	sadd.s32 $0xB000, s16;
	s8 =	simm.s32 @!p1 $0x0;
	[dreg:$0xe] =	wrdreg s25  }
0x16: {  	s14 =	smul.u32 $0x2710, s7;
	[dreg:$0xf] =	wrdreg s26;
	s17 =	sadd.s32 $0xC000, s16  }
0x17: {  	s18 =	sadd.s32 $0xD000, s16;
	s19 =	sadd.s32 $0xE000, s16;
	s20 =	sadd.s32 $0xF000, s16  }
0x18: {  	s21 =	sadd.s32 $0x10000, s16;
	s22 =	sadd.s32 $0x11000, s16;
	s23 =	sadd.s32 $0x12000, s16  }
0x19: {  	s24 =	sadd.s32 $0x13000, s16;
	s25 =	smax.u32 s2, $0x1;
	s26 =	simm.s32 $0x1  }
0x1a: {  	s2 =	simm.s32 $0x5400;
	s7 =	simm.s32 $0x11400;
	s13 =	sadd.s32 s0, s8  }
0x1b: {  	s0 =	simm.s32 $0x9400;
	s8 =	simm.s32 $0x15400;
	s16 =	smov.u32 s13  }
0x1c: {  	s28 =	sadd.s32 $0x40, s13;
	s13 =	simm.s32 $0x6;
	v0 =	vmov s14;
	s14 =	simm.s32 $0x0  }
.LBB2_1:
0x1d: {  	[tilespmem:s3], [sflag:$0x7] =	stream.linear.gather [hbm4b:s16+s3], $0x200, $0x38;
	[tilespmem:$0x19400] =	vst v63  }
0x1e: {  	_ =	swait.ge [sflag:s29], $0x200  }
0x1f: {  	[sflag:s29] =	ssyncset.done $0x0  }
0x20: {  	s4 =	simm.s32 $0x0;
	s15 =	simm.s32 $0x40;
	[sflag:s29] =	ssyncadd.s32 $0xFFFFFE00  }
.LBB2_2:
0x21: {  	p0 =	sne.s32 s15, $0x7C0;
	v1 =	vld [tilespmem:s4+$0x0];
	_ =	sdelay $0x1  }
.Ltmp0:
0x22: {  	(pc) =	sbr.rel @p0 .LBB2_2-.Ltmp0, $3  }
0x23: {  	_ =	sdelay $0x1  }
0x24: {  	v1 =	vadd.s32 v0, v1  }
0x25: {  	[tilespmem:s4+$0x0] =	vst v1;
	s4 =	sshra.s32 s15, $0x2;
	s15 =	sadd.s32 $0x40, s15  }
0x26: {  	v1 =	vld [tilespmem:s4+$0x0];
	_ =	sdelay $0x4  }
0x27: {  	v1 =	vadd.s32 v0, v1  }
0x28: {  	[tilespmem:s4+$0x0] =	vst v1  }
0x29: {  	[tilespmem:s31], [sflag:$0x1] =	stream.indirect.gather [hbm4b:s1+s30], $0x80, s3, s30, $0xb8;
	[tilespmem:$0x19400] =	vst v63  }
0x2a: {  	_ = 	snop  }
0x2b: {  	[tilespmem:s2], [sflag:$0x1] =	stream.indirect.gather [hbm4b:s1+s30], $0x80, s30, s30, $0xb8;
	[tilespmem:$0x19400] =	vst v63  }
0x2c: {  	s15 =	simm.s32 $0x100  }
0x2d: {  	[tilespmem:s0], [sflag:$0x2] =	stream.indirect.gather [hbm4b:s1+s30], $0x80, s15, s30, $0xb8;
	[tilespmem:$0x19400] =	vst v63  }
0x2e: {  	s15 =	simm.s32 $0x180  }
0x2f: {  	[tilespmem:s5], [sflag:$0x2] =	stream.indirect.gather [hbm4b:s1+s30], $0x80, s15, s30, $0xb8;
	[tilespmem:$0x19400] =	vst v63  }
0x30: {  	_ = 	snop  }
0x31: {  	[tilespmem:s6], [sflag:$0x7] =	stream.linear.gather [hbm4b:s28+s3], $0x1188, $0x38;
	[tilespmem:$0x19400] =	vst v63  }
0x32: {  	_ =	swait.ge [sflag:s29], $0x1188  }
0x33: {  	[sflag:s29] =	ssyncset.done $0x0  }
0x34: {  	s4 =	simm.s32 $0x200;
	s15 =	simm.s32 $0x840;
	[sflag:s29] =	ssyncadd.s32 $0xFFFFEE78  }
.LBB2_4:
0x35: {  	p0 =	sne.s32 s15, $0x4E00;
	v1 =	vld [tilespmem:s4+$0x0];
	_ =	sdelay $0x1  }
.Ltmp1:
0x36: {  	(pc) =	sbr.rel @p0 .LBB2_4-.Ltmp1, $3  }
0x37: {  	_ =	sdelay $0x1  }
0x38: {  	v1 =	vadd.s32 v0, v1  }
0x39: {  	[tilespmem:s4+$0x0] =	vst v1;
	s4 =	sshra.s32 s15, $0x2;
	s15 =	sadd.s32 $0x40, s15  }
0x3a: {  	v1 =	vld [tilespmem:s4+$0x0];
	_ =	sdelay $0x4  }
0x3b: {  	v1 =	vadd.s32 v0, v1  }
0x3c: {  	[tilespmem:s4+$0x0] =	vst v1  }
0x3d: {  	_ =	swait.ge [sflag:s26], $0x4000  }
0x3e: {  	[sflag:s26] =	ssyncset.done $0x0  }
0x3f: {  	[sflag:s26] =	ssyncadd.s32 $0xFFFFC000  }
0x40: {  	[tilespmem:s7], [sflag:$0x3] =	stream.indirect.gather [hbm4b:s1+s30], $0x80, s6, s30, $0xb8;
	[tilespmem:$0x19400] =	vst v63  }
0x41: {  	_ =	swait.ge [sflag:s26], $0x4000  }
0x42: {  	[sflag:s26] =	ssyncset.done $0x0  }
0x43: {  	s15 =	rddreg [dreg:$0x4];
	[sflag:s26] =	ssyncadd.s32 $0xFFFFC000  }
0x44: {  	[hbm4b:s15+s3] =	stream.linear.scatter [tilespmem:s31], [sflag:$0x4], $0x8000, $0x38;
	[tilespmem:$0x19400] =	vst v63  }
0x45: {  	s15 =	simm.s32 $0x280  }
0x46: {  	[tilespmem:s8], [sflag:$0x3] =	stream.indirect.gather [hbm4b:s1+s30], $0x80, s15, s30, $0xb8;
	[tilespmem:$0x19400] =	vst v63  }
0x47: {  	_ =	swait.ge [sflag:s9], $0x4000  }
0x48: {  	[sflag:s9] =	ssyncset.done $0x0  }
0x49: {  	[sflag:s9] =	ssyncadd.s32 $0xFFFFC000  }
0x4a: {  	_ =	swait.ge [sflag:s10], $0x8000  }
0x4b: {  	[sflag:s10] =	ssyncset.done $0x0  }
0x4c: {  	s15 =	simm.s32 $0x300;
	[sflag:s10] =	ssyncadd.s32 $0xFFFF8000  }
0x4d: {  	[tilespmem:s31], [sflag:$0x1] =	stream.indirect.gather [hbm4b:s1+s30], $0x80, s15, s30, $0xb8;
	[tilespmem:$0x19400] =	vst v63  }
0x4e: {  	_ =	swait.ge [sflag:s9], $0x4000  }
0x4f: {  	[sflag:s9] =	ssyncset.done $0x0  }
0x50: {  	s15 =	rddreg [dreg:$0x5];
	[sflag:s9] =	ssyncadd.s32 $0xFFFFC000  }
0x51: {  	[hbm4b:s15+s3] =	stream.linear.scatter [tilespmem:s0], [sflag:$0x5], $0x8000, $0x38;
	[tilespmem:$0x19400] =	vst v63  }
0x52: {  	s15 =	simm.s32 $0x380  }
0x53: {  	[tilespmem:s2], [sflag:$0x1] =	stream.indirect.gather [hbm4b:s1+s30], $0x80, s15, s30, $0xb8;
	[tilespmem:$0x19400] =	vst v63  }
0x54: {  	_ =	swait.ge [sflag:s11], $0x4000  }
0x55: {  	[sflag:s11] =	ssyncset.done $0x0  }
0x56: {  	[sflag:s11] =	ssyncadd.s32 $0xFFFFC000  }
0x57: {  	_ =	swait.ge [sflag:s12], $0x8000  }
0x58: {  	[sflag:s12] =	ssyncset.done $0x0  }
0x59: {  	s15 =	simm.s32 $0x400;
	[sflag:s12] =	ssyncadd.s32 $0xFFFF8000  }
0x5a: {  	[tilespmem:s0], [sflag:$0x2] =	stream.indirect.gather [hbm4b:s1+s30], $0x80, s15, s30, $0xb8;
	[tilespmem:$0x19400] =	vst v63  }
0x5b: {  	_ =	swait.ge [sflag:s11], $0x4000  }
0x5c: {  	[sflag:s11] =	ssyncset.done $0x0  }
0x5d: {  	s15 =	rddreg [dreg:$0x6];
	[sflag:s11] =	ssyncadd.s32 $0xFFFFC000  }
0x5e: {  	[hbm4b:s15+s3] =	stream.linear.scatter [tilespmem:s7], [sflag:$0x6], $0x8000, $0x38;
	[tilespmem:$0x19400] =	vst v63  }
0x5f: {  	s15 =	simm.s32 $0x480  }
0x60: {  	[tilespmem:s5], [sflag:$0x2] =	stream.indirect.gather [hbm4b:s1+s30], $0x80, s15, s30, $0xb8;
	[tilespmem:$0x19400] =	vst v63  }
0x61: {  	_ =	swait.ge [sflag:s26], $0x4000  }
0x62: {  	[sflag:s26] =	ssyncset.done $0x0  }
0x63: {  	[sflag:s26] =	ssyncadd.s32 $0xFFFFC000  }
0x64: {  	_ =	swait.ge [sflag:s13], $0x8000  }
0x65: {  	[sflag:s13] =	ssyncset.done $0x0  }
0x66: {  	s15 =	simm.s32 $0x500;
	[sflag:s13] =	ssyncadd.s32 $0xFFFF8000  }
0x67: {  	[tilespmem:s7], [sflag:$0x3] =	stream.indirect.gather [hbm4b:s1+s30], $0x80, s15, s30, $0xb8;
	[tilespmem:$0x19400] =	vst v63  }
0x68: {  	_ =	swait.ge [sflag:s26], $0x4000  }
0x69: {  	[sflag:s26] =	ssyncset.done $0x0  }
0x6a: {  	s15 =	rddreg [dreg:$0x7];
	[sflag:s26] =	ssyncadd.s32 $0xFFFFC000  }
0x6b: {  	[hbm4b:s15+s3] =	stream.linear.scatter [tilespmem:s31], [sflag:$0x4], $0x8000, $0x38;
	[tilespmem:$0x19400] =	vst v63  }
0x6c: {  	s15 =	simm.s32 $0x580  }
0x6d: {  	[tilespmem:s8], [sflag:$0x3] =	stream.indirect.gather [hbm4b:s1+s30], $0x80, s15, s30, $0xb8;
	[tilespmem:$0x19400] =	vst v63  }
0x6e: {  	_ =	swait.ge [sflag:s9], $0x4000  }
0x6f: {  	[sflag:s9] =	ssyncset.done $0x0  }
0x70: {  	[sflag:s9] =	ssyncadd.s32 $0xFFFFC000  }
0x71: {  	_ =	swait.ge [sflag:s10], $0x8000  }
0x72: {  	[sflag:s10] =	ssyncset.done $0x0  }
0x73: {  	s15 =	simm.s32 $0x600;
	[sflag:s10] =	ssyncadd.s32 $0xFFFF8000  }
0x74: {  	[tilespmem:s31], [sflag:$0x1] =	stream.indirect.gather [hbm4b:s1+s30], $0x80, s15, s30, $0xb8;
	[tilespmem:$0x19400] =	vst v63  }
0x75: {  	_ =	swait.ge [sflag:s9], $0x4000  }
0x76: {  	[sflag:s9] =	ssyncset.done $0x0  }
0x77: {  	s15 =	rddreg [dreg:$0x8];
	[sflag:s9] =	ssyncadd.s32 $0xFFFFC000  }
0x78: {  	[hbm4b:s15+s3] =	stream.linear.scatter [tilespmem:s0], [sflag:$0x5], $0x8000, $0x38;
	[tilespmem:$0x19400] =	vst v63  }
0x79: {  	s15 =	simm.s32 $0x680  }
0x7a: {  	[tilespmem:s2], [sflag:$0x1] =	stream.indirect.gather [hbm4b:s1+s30], $0x80, s15, s30, $0xb8;
	[tilespmem:$0x19400] =	vst v63  }
0x7b: {  	_ =	swait.ge [sflag:s11], $0x4000  }
0x7c: {  	[sflag:s11] =	ssyncset.done $0x0  }
0x7d: {  	[sflag:s11] =	ssyncadd.s32 $0xFFFFC000  }
0x7e: {  	_ =	swait.ge [sflag:s12], $0x8000  }
0x7f: {  	[sflag:s12] =	ssyncset.done $0x0  }
0x80: {  	s15 =	simm.s32 $0x700;
	[sflag:s12] =	ssyncadd.s32 $0xFFFF8000  }
0x81: {  	[tilespmem:s0], [sflag:$0x2] =	stream.indirect.gather [hbm4b:s1+s30], $0x80, s15, s30, $0xb8;
	[tilespmem:$0x19400] =	vst v63  }
0x82: {  	_ =	swait.ge [sflag:s11], $0x4000  }
0x83: {  	[sflag:s11] =	ssyncset.done $0x0  }
0x84: {  	s15 =	rddreg [dreg:$0x9];
	[sflag:s11] =	ssyncadd.s32 $0xFFFFC000  }
0x85: {  	[hbm4b:s15+s3] =	stream.linear.scatter [tilespmem:s7], [sflag:$0x6], $0x8000, $0x38;
	[tilespmem:$0x19400] =	vst v63  }
0x86: {  	s15 =	simm.s32 $0x780  }
0x87: {  	[tilespmem:s5], [sflag:$0x2] =	stream.indirect.gather [hbm4b:s1+s30], $0x80, s15, s30, $0xb8;
	[tilespmem:$0x19400] =	vst v63  }
0x88: {  	_ =	swait.ge [sflag:s26], $0x4000  }
0x89: {  	[sflag:s26] =	ssyncset.done $0x0  }
0x8a: {  	[sflag:s26] =	ssyncadd.s32 $0xFFFFC000  }
0x8b: {  	_ =	swait.ge [sflag:s13], $0x8000  }
0x8c: {  	[sflag:s13] =	ssyncset.done $0x0  }
0x8d: {  	s15 =	simm.s32 $0x800;
	[sflag:s13] =	ssyncadd.s32 $0xFFFF8000  }
0x8e: {  	[tilespmem:s7], [sflag:$0x3] =	stream.indirect.gather [hbm4b:s1+s30], $0x80, s15, s30, $0xb8;
	[tilespmem:$0x19400] =	vst v63  }
0x8f: {  	_ =	swait.ge [sflag:s26], $0x4000  }
0x90: {  	[sflag:s26] =	ssyncset.done $0x0  }
0x91: {  	s15 =	rddreg [dreg:$0xa];
	[sflag:s26] =	ssyncadd.s32 $0xFFFFC000  }
0x92: {  	[hbm4b:s15+s3] =	stream.linear.scatter [tilespmem:s31], [sflag:$0x4], $0x8000, $0x38;
	[tilespmem:$0x19400] =	vst v63  }
0x93: {  	s15 =	simm.s32 $0x880  }
0x94: {  	[tilespmem:s8], [sflag:$0x3] =	stream.indirect.gather [hbm4b:s1+s30], $0x80, s15, s30, $0xb8;
	[tilespmem:$0x19400] =	vst v63  }
0x95: {  	_ =	swait.ge [sflag:s9], $0x4000  }
0x96: {  	[sflag:s9] =	ssyncset.done $0x0  }
0x97: {  	[sflag:s9] =	ssyncadd.s32 $0xFFFFC000  }
0x98: {  	_ =	swait.ge [sflag:s10], $0x8000  }
0x99: {  	[sflag:s10] =	ssyncset.done $0x0  }
0x9a: {  	s15 =	simm.s32 $0x900;
	[sflag:s10] =	ssyncadd.s32 $0xFFFF8000  }
0x9b: {  	[tilespmem:s31], [sflag:$0x1] =	stream.indirect.gather [hbm4b:s1+s30], $0x80, s15, s30, $0xb8;
	[tilespmem:$0x19400] =	vst v63  }
0x9c: {  	_ =	swait.ge [sflag:s9], $0x4000  }
0x9d: {  	[sflag:s9] =	ssyncset.done $0x0  }
0x9e: {  	s15 =	rddreg [dreg:$0xb];
	[sflag:s9] =	ssyncadd.s32 $0xFFFFC000  }
0x9f: {  	[hbm4b:s15+s3] =	stream.linear.scatter [tilespmem:s0], [sflag:$0x5], $0x8000, $0x38;
	[tilespmem:$0x19400] =	vst v63  }
0xa0: {  	s15 =	simm.s32 $0x980  }
0xa1: {  	[tilespmem:s2], [sflag:$0x1] =	stream.indirect.gather [hbm4b:s1+s30], $0x80, s15, s30, $0xb8;
	[tilespmem:$0x19400] =	vst v63  }
0xa2: {  	_ =	swait.ge [sflag:s11], $0x4000  }
0xa3: {  	[sflag:s11] =	ssyncset.done $0x0  }
0xa4: {  	[sflag:s11] =	ssyncadd.s32 $0xFFFFC000  }
0xa5: {  	_ =	swait.ge [sflag:s12], $0x8000  }
0xa6: {  	[sflag:s12] =	ssyncset.done $0x0  }
0xa7: {  	s15 =	simm.s32 $0xA00;
	[sflag:s12] =	ssyncadd.s32 $0xFFFF8000  }
0xa8: {  	[tilespmem:s0], [sflag:$0x2] =	stream.indirect.gather [hbm4b:s1+s30], $0x80, s15, s30, $0xb8;
	[tilespmem:$0x19400] =	vst v63  }
0xa9: {  	_ =	swait.ge [sflag:s11], $0x4000  }
0xaa: {  	[sflag:s11] =	ssyncset.done $0x0  }
0xab: {  	s15 =	rddreg [dreg:$0xc];
	[sflag:s11] =	ssyncadd.s32 $0xFFFFC000  }
0xac: {  	[hbm4b:s15+s3] =	stream.linear.scatter [tilespmem:s7], [sflag:$0x6], $0x8000, $0x38;
	[tilespmem:$0x19400] =	vst v63  }
0xad: {  	s15 =	simm.s32 $0xA80  }
0xae: {  	[tilespmem:s5], [sflag:$0x2] =	stream.indirect.gather [hbm4b:s1+s30], $0x80, s15, s30, $0xb8;
	[tilespmem:$0x19400] =	vst v63  }
0xaf: {  	_ =	swait.ge [sflag:s26], $0x4000  }
0xb0: {  	[sflag:s26] =	ssyncset.done $0x0  }
0xb1: {  	[sflag:s26] =	ssyncadd.s32 $0xFFFFC000  }
0xb2: {  	_ =	swait.ge [sflag:s13], $0x8000  }
0xb3: {  	[sflag:s13] =	ssyncset.done $0x0  }
0xb4: {  	s15 =	simm.s32 $0xB00;
	[sflag:s13] =	ssyncadd.s32 $0xFFFF8000  }
0xb5: {  	[tilespmem:s7], [sflag:$0x3] =	stream.indirect.gather [hbm4b:s1+s30], $0x80, s15, s30, $0xb8;
	[tilespmem:$0x19400] =	vst v63  }
0xb6: {  	_ =	swait.ge [sflag:s26], $0x4000  }
0xb7: {  	[sflag:s26] =	ssyncset.done $0x0  }
0xb8: {  	s15 =	rddreg [dreg:$0xd];
	[sflag:s26] =	ssyncadd.s32 $0xFFFFC000  }
0xb9: {  	[hbm4b:s15+s3] =	stream.linear.scatter [tilespmem:s31], [sflag:$0x4], $0x8000, $0x38;
	[tilespmem:$0x19400] =	vst v63  }
0xba: {  	s15 =	simm.s32 $0xB80  }
0xbb: {  	[tilespmem:s8], [sflag:$0x3] =	stream.indirect.gather [hbm4b:s1+s30], $0x80, s15, s30, $0xb8;
	[tilespmem:$0x19400] =	vst v63  }
0xbc: {  	_ =	swait.ge [sflag:s9], $0x4000  }
0xbd: {  	[sflag:s9] =	ssyncset.done $0x0  }
0xbe: {  	[sflag:s9] =	ssyncadd.s32 $0xFFFFC000  }
0xbf: {  	_ =	swait.ge [sflag:s10], $0x8000  }
0xc0: {  	[sflag:s10] =	ssyncset.done $0x0  }
0xc1: {  	s15 =	simm.s32 $0xC00;
	[sflag:s10] =	ssyncadd.s32 $0xFFFF8000  }
0xc2: {  	[tilespmem:s31], [sflag:$0x1] =	stream.indirect.gather [hbm4b:s1+s30], $0x80, s15, s30, $0xb8;
	[tilespmem:$0x19400] =	vst v63  }
0xc3: {  	_ =	swait.ge [sflag:s9], $0x4000  }
0xc4: {  	[sflag:s9] =	ssyncset.done $0x0  }
0xc5: {  	s15 =	rddreg [dreg:$0xe];
	[sflag:s9] =	ssyncadd.s32 $0xFFFFC000  }
0xc6: {  	[hbm4b:s15+s3] =	stream.linear.scatter [tilespmem:s0], [sflag:$0x5], $0x8000, $0x38;
	[tilespmem:$0x19400] =	vst v63  }
0xc7: {  	s15 =	simm.s32 $0xC80  }
0xc8: {  	[tilespmem:s2], [sflag:$0x1] =	stream.indirect.gather [hbm4b:s1+s30], $0x80, s15, s30, $0xb8;
	[tilespmem:$0x19400] =	vst v63  }
0xc9: {  	_ =	swait.ge [sflag:s11], $0x4000  }
0xca: {  	[sflag:s11] =	ssyncset.done $0x0  }
0xcb: {  	[sflag:s11] =	ssyncadd.s32 $0xFFFFC000  }
0xcc: {  	_ =	swait.ge [sflag:s12], $0x8000  }
0xcd: {  	[sflag:s12] =	ssyncset.done $0x0  }
0xce: {  	s15 =	simm.s32 $0xD00;
	[sflag:s12] =	ssyncadd.s32 $0xFFFF8000  }
0xcf: {  	[tilespmem:s0], [sflag:$0x2] =	stream.indirect.gather [hbm4b:s1+s30], $0x80, s15, s30, $0xb8;
	[tilespmem:$0x19400] =	vst v63  }
0xd0: {  	_ =	swait.ge [sflag:s11], $0x4000  }
0xd1: {  	[sflag:s11] =	ssyncset.done $0x0  }
0xd2: {  	s15 =	rddreg [dreg:$0xf];
	[sflag:s11] =	ssyncadd.s32 $0xFFFFC000  }
0xd3: {  	[hbm4b:s15+s3] =	stream.linear.scatter [tilespmem:s7], [sflag:$0x6], $0x8000, $0x38;
	[tilespmem:$0x19400] =	vst v63  }
0xd4: {  	s15 =	simm.s32 $0xD80  }
0xd5: {  	[tilespmem:s5], [sflag:$0x2] =	stream.indirect.gather [hbm4b:s1+s30], $0x80, s15, s30, $0xb8;
	[tilespmem:$0x19400] =	vst v63  }
0xd6: {  	_ =	swait.ge [sflag:s26], $0x4000  }
0xd7: {  	[sflag:s26] =	ssyncset.done $0x0  }
0xd8: {  	[sflag:s26] =	ssyncadd.s32 $0xFFFFC000  }
0xd9: {  	_ =	swait.ge [sflag:s13], $0x8000  }
0xda: {  	[sflag:s13] =	ssyncset.done $0x0  }
0xdb: {  	s15 =	simm.s32 $0xE00;
	[sflag:s13] =	ssyncadd.s32 $0xFFFF8000  }
0xdc: {  	[tilespmem:s7], [sflag:$0x3] =	stream.indirect.gather [hbm4b:s1+s30], $0x80, s15, s30, $0xb8;
	[tilespmem:$0x19400] =	vst v63  }
0xdd: {  	_ =	swait.ge [sflag:s26], $0x4000  }
0xde: {  	[sflag:s26] =	ssyncset.done $0x0  }
0xdf: {  	[sflag:s26] =	ssyncadd.s32 $0xFFFFC000  }
0xe0: {  	[hbm4b:s17+s3] =	stream.linear.scatter [tilespmem:s31], [sflag:$0x4], $0x8000, $0x38;
	[tilespmem:$0x19400] =	vst v63  }
0xe1: {  	s15 =	simm.s32 $0xE80  }
0xe2: {  	[tilespmem:s8], [sflag:$0x3] =	stream.indirect.gather [hbm4b:s1+s30], $0x80, s15, s30, $0xb8;
	[tilespmem:$0x19400] =	vst v63  }
0xe3: {  	_ =	swait.ge [sflag:s9], $0x4000  }
0xe4: {  	[sflag:s9] =	ssyncset.done $0x0  }
0xe5: {  	[sflag:s9] =	ssyncadd.s32 $0xFFFFC000  }
0xe6: {  	_ =	swait.ge [sflag:s10], $0x8000  }
0xe7: {  	[sflag:s10] =	ssyncset.done $0x0  }
0xe8: {  	s15 =	simm.s32 $0xF00;
	[sflag:s10] =	ssyncadd.s32 $0xFFFF8000  }
0xe9: {  	[tilespmem:s31], [sflag:$0x1] =	stream.indirect.gather [hbm4b:s1+s30], $0x80, s15, s30, $0xb8;
	[tilespmem:$0x19400] =	vst v63  }
0xea: {  	_ =	swait.ge [sflag:s9], $0x4000  }
0xeb: {  	[sflag:s9] =	ssyncset.done $0x0  }
0xec: {  	[sflag:s9] =	ssyncadd.s32 $0xFFFFC000  }
0xed: {  	[hbm4b:s18+s3] =	stream.linear.scatter [tilespmem:s0], [sflag:$0x5], $0x8000, $0x38;
	[tilespmem:$0x19400] =	vst v63  }
0xee: {  	s15 =	simm.s32 $0xF80  }
0xef: {  	[tilespmem:s2], [sflag:$0x1] =	stream.indirect.gather [hbm4b:s1+s30], $0x80, s15, s30, $0xb8;
	[tilespmem:$0x19400] =	vst v63  }
0xf0: {  	_ =	swait.ge [sflag:s11], $0x4000  }
0xf1: {  	[sflag:s11] =	ssyncset.done $0x0  }
0xf2: {  	[sflag:s11] =	ssyncadd.s32 $0xFFFFC000  }
0xf3: {  	_ =	swait.ge [sflag:s12], $0x8000  }
0xf4: {  	[sflag:s12] =	ssyncset.done $0x0  }
0xf5: {  	s15 =	simm.s32 $0x1000;
	[sflag:s12] =	ssyncadd.s32 $0xFFFF8000  }
0xf6: {  	[tilespmem:s0], [sflag:$0x2] =	stream.indirect.gather [hbm4b:s1+s30], $0x80, s15, s30, $0xb8;
	[tilespmem:$0x19400] =	vst v63  }
0xf7: {  	_ =	swait.ge [sflag:s11], $0x4000  }
0xf8: {  	[sflag:s11] =	ssyncset.done $0x0  }
0xf9: {  	[sflag:s11] =	ssyncadd.s32 $0xFFFFC000  }
0xfa: {  	[hbm4b:s19+s3] =	stream.linear.scatter [tilespmem:s7], [sflag:$0x6], $0x8000, $0x38;
	[tilespmem:$0x19400] =	vst v63  }
0xfb: {  	s15 =	simm.s32 $0x1080  }
0xfc: {  	[tilespmem:s5], [sflag:$0x2] =	stream.indirect.gather [hbm4b:s1+s30], $0x80, s15, s30, $0xb8;
	[tilespmem:$0x19400] =	vst v63  }
0xfd: {  	_ =	swait.ge [sflag:s26], $0x4000  }
0xfe: {  	[sflag:s26] =	ssyncset.done $0x0  }
0xff: {  	[sflag:s26] =	ssyncadd.s32 $0xFFFFC000  }
0x100: {  	_ =	swait.ge [sflag:s13], $0x8000  }
0x101: {  	[sflag:s13] =	ssyncset.done $0x0  }
0x102: {  	s15 =	simm.s32 $0x1100;
	[sflag:s13] =	ssyncadd.s32 $0xFFFF8000  }
0x103: {  	[tilespmem:s7], [sflag:$0x3] =	stream.indirect.gather [hbm4b:s1+s30], $0x80, s15, s30, $0xb8;
	[tilespmem:$0x19400] =	vst v63  }
0x104: {  	_ =	swait.ge [sflag:s26], $0x4000  }
0x105: {  	[sflag:s26] =	ssyncset.done $0x0  }
0x106: {  	[sflag:s26] =	ssyncadd.s32 $0xFFFFC000  }
0x107: {  	[hbm4b:s20+s3] =	stream.linear.scatter [tilespmem:s31], [sflag:$0x4], $0x8000, $0x38;
	[tilespmem:$0x19400] =	vst v63  }
0x108: {  	s15 =	simm.s32 $0x1180  }
0x109: {  	[tilespmem:s8], [sflag:$0x3] =	stream.indirect.gather [hbm4b:s1+s30], $0x80, s15, s30, $0xb8;
	[tilespmem:$0x19400] =	vst v63  }
0x10a: {  	_ =	swait.ge [sflag:s9], $0x4000  }
0x10b: {  	[sflag:s9] =	ssyncset.done $0x0  }
0x10c: {  	[sflag:s9] =	ssyncadd.s32 $0xFFFFC000  }
0x10d: {  	_ =	swait.ge [sflag:s10], $0x8000  }
0x10e: {  	[sflag:s10] =	ssyncset.done $0x0  }
0x10f: {  	s15 =	simm.s32 $0x1200;
	[sflag:s10] =	ssyncadd.s32 $0xFFFF8000  }
0x110: {  	[tilespmem:s31], [sflag:$0x1] =	stream.indirect.gather [hbm4b:s1+s30], $0x80, s15, s30, $0xb8;
	[tilespmem:$0x19400] =	vst v63  }
0x111: {  	_ =	swait.ge [sflag:s9], $0x4000  }
0x112: {  	[sflag:s9] =	ssyncset.done $0x0  }
0x113: {  	[sflag:s9] =	ssyncadd.s32 $0xFFFFC000  }
0x114: {  	[hbm4b:s21+s3] =	stream.linear.scatter [tilespmem:s0], [sflag:$0x5], $0x8000, $0x38;
	[tilespmem:$0x19400] =	vst v63  }
0x115: {  	s15 =	simm.s32 $0x1280  }
0x116: {  	[tilespmem:s2], [sflag:$0x1] =	stream.indirect.gather [hbm4b:s1+s30], $0x80, s15, s30, $0xb8;
	[tilespmem:$0x19400] =	vst v63  }
0x117: {  	_ =	swait.ge [sflag:s11], $0x4000  }
0x118: {  	[sflag:s11] =	ssyncset.done $0x0  }
0x119: {  	[sflag:s11] =	ssyncadd.s32 $0xFFFFC000  }
0x11a: {  	_ =	swait.ge [sflag:s12], $0x8000  }
0x11b: {  	[sflag:s12] =	ssyncset.done $0x0  }
0x11c: {  	s15 =	simm.s32 $0x1300;
	[sflag:s12] =	ssyncadd.s32 $0xFFFF8000  }
0x11d: {  	[tilespmem:s0], [sflag:$0x2] =	stream.indirect.gather [hbm4b:s1+s30], $0x80, s15, s30, $0xb8;
	[tilespmem:$0x19400] =	vst v63  }
0x11e: {  	_ =	swait.ge [sflag:s11], $0x4000  }
0x11f: {  	[sflag:s11] =	ssyncset.done $0x0  }
0x120: {  	[sflag:s11] =	ssyncadd.s32 $0xFFFFC000  }
0x121: {  	[hbm4b:s22+s3] =	stream.linear.scatter [tilespmem:s7], [sflag:$0x6], $0x8000, $0x38;
	[tilespmem:$0x19400] =	vst v63  }
0x122: {  	s4 =	simm.s32 $0x8;
	s15 =	simm.s32 $0x1380  }
0x123: {  	[tilespmem:s5], [sflag:$0x2] =	stream.indirect.gather [hbm4b:s1+s4], $0x80, s15, s4, $0xb8;
	[tilespmem:$0x19400] =	vst v63  }
0x124: {  	_ =	swait.ge [sflag:s26], $0x4000  }
0x125: {  	[sflag:s26] =	ssyncset.done $0x0  }
0x126: {  	[sflag:s26] =	ssyncadd.s32 $0xFFFFC000  }
0x127: {  	_ =	swait.ge [sflag:s26], $0x4000  }
0x128: {  	[sflag:s26] =	ssyncset.done $0x0  }
0x129: {  	[sflag:s26] =	ssyncadd.s32 $0xFFFFC000  }
0x12a: {  	[hbm4b:s23+s3] =	stream.linear.scatter [tilespmem:s31], [sflag:$0x4], $0x8000, $0x38;
	[tilespmem:$0x19400] =	vst v63  }
0x12b: {  	_ =	swait.ge [sflag:s9], $0x4000  }
0x12c: {  	[sflag:s9] =	ssyncset.done $0x0  }
0x12d: {  	[sflag:s9] =	ssyncadd.s32 $0xFFFFC000  }
0x12e: {  	_ =	swait.ge [sflag:s9], $0x400  }
0x12f: {  	[sflag:s9] =	ssyncset.done $0x0  }
0x130: {  	[sflag:s9] =	ssyncadd.s32 $0xFFFFFC00  }
0x131: {  	[hbm4b:s24+s3] =	stream.linear.scatter [tilespmem:s0], [sflag:$0x5], $0x4400, $0x38;
	[tilespmem:$0x19400] =	vst v63  }
0x132: {  	_ =	swait.ge [sflag:s13], $0x8000  }
0x133: {  	[sflag:s13] =	ssyncset.done $0x0  }
0x134: {  	s14 =	sadd.s32 $0x1, s14;
	[sflag:s13] =	ssyncadd.s32 $0xFFFF8000  }
0x135: {  	p0 =	sne.s32 s14, s25;
	_ =	swait.ge [sflag:s10], $0x8000  }
.Ltmp2:
0x136: {  	[sflag:s10] =	ssyncset.done $0x0;
	(pc) =	sbr.rel @p0 .LBB2_1-.Ltmp2, $4  }
0x137: {  	[sflag:s10] =	ssyncadd.s32 $0xFFFF8000  }
0x138: {  	_ =	swait.ge [sflag:s12], $0x4400  }
0x139: {  	[sflag:s12] =	ssyncset.done $0x0  }
0x13a: {  	[sflag:s12] =	ssyncadd.s32 $0xFFFFBC00  }
0x13b: {  	_ =	sfence.sel $0x180000  }
0x13c: {  	[bflag:$0x0] =	sbarrier.arrive $0xFFFF  }
0x13d: {  	_ =	strace $0x90000047  }
0x13e: {  	s0 =	stileid.u32;
	[bflag:$0x2] =	sbarrier.arrive $0xFFFF  }
0x13f: {  	p0 =	sne.s32 s0, $0x0;
	s0 =	rddreg [dreg:$0x3]  }
0x140: {  	s0 =	sadd.s32 @!p0 $0x100000, s0  }
0x141: {  	[sflag:s0] =	ssyncadd.tile.s32 @!p0 $0x1;
	_ =	shalt  }
.Lfunc_end2:
_tile_overlayer_lowered:
.L_overlay_start_2:
0x142: {  	(tag) =	ssettag $0x2  }
0x143: {  	s0 =	rddreg [dreg:$0x0];
	s2 =	stileid.u32  }
0x144: {  	s1 =	rddreg [dreg:$0x1];
	p0 =	sne.s32 s2, $0x0  }
0x145: {  	s3 =	rddreg [dreg:$0x2];
	[bflag:$0x3] =	sbarrier.arrive $0xFFFF;
	s2 =	simm.s32 @!p0 $0x1C07  }
0x146: {  	[timem:s3], [sflag:s2] =	dma.local @!p0 [hbm:s0], s1  }
0x147: {  	s0 =	simm.s32 @!p0 $0x7  }
0x148: {  	_ =	swait.ge @!p0 [sflag:s0], s1  }
0x149: {  	s1 =	ssub.s32 @!p0 $0x0, s1;
	[sflag:s0] =	ssyncset.done @!p0 $0x0  }
0x14a: {  	[sflag:s0] =	ssyncadd.s32 @!p0 s1  }
0x14b: {  	[bflag:$0x3] =	sbarrier.arrive $0xFFFF  }
0x14c: {  	_ =	shalt  }

</sc_bundles>
